<compile_context>
chip_gen: v7x
topology: tpu7x:2x2x1
jax: 0.10.2.dev20260603
libtpu: 0.0.44.dev20260713+nightly
codegen_flags: <defaults>
</compile_context>

<pallas_src>
import functools

import jax
import jax.numpy as jnp
from jax import lax
from jax.experimental import pallas as pl
from jax.experimental.pallas import tpu as pltpu
from jax.experimental.pallas import tpu_sc as plsc

N_ATOMS = 10000
N_PAIRS = 160000
NF = 128
N_DIST = 10
HARD_CUTOFF = 5.5
GN_EPS = 1e-05

C = 2000
NB = N_PAIRS // C

P_PAD = 160640
PPH = N_PAIRS // 2
PPT = PPH // 16
SCH = 80
N_SCH = 63
PFB = 5056
PADROWS = 10112
DUMROWS = 128
ROWS = PADROWS + DUMROWS
ZR = ROWS // 16
OR_ = PADROWS // 16


def _sc_gather(table, idx):
    info = plsc.get_sparse_core_info()
    nc, ns = info.num_cores, info.num_subcores
    nw = nc * ns
    b_per_w = N_PAIRS // nw
    ch = 200
    n_ch = b_per_w // ch
    mesh = plsc.VectorSubcoreMesh(core_axis_name="c", subcore_axis_name="s")

    @functools.partial(
        pl.kernel,
        mesh=mesh,
        out_type=jax.ShapeDtypeStruct((N_PAIRS, NF), jnp.float32),
        scratch_types=[
            pltpu.VMEM((b_per_w,), jnp.int32),
            pltpu.VMEM((ch, NF), jnp.float32),
            pltpu.VMEM((ch, NF), jnp.float32),
            pltpu.SemaphoreType.DMA,
            pltpu.SemaphoreType.DMA,
        ],
    )
    def gather_kernel(table_hbm, idx_hbm, out_hbm, idx_v, rows_a, rows_b,
                      sem_a, sem_b):
        wid = lax.axis_index("s") * nc + lax.axis_index("c")
        base = wid * b_per_w
        pltpu.sync_copy(idx_hbm.at[pl.ds(base, b_per_w)], idx_v)
        pltpu.async_copy(table_hbm.at[idx_v.at[pl.ds(0, ch)]], rows_a, sem_a)

        def two(jj, carry):
            j1 = 2 * jj + 1
            pltpu.async_copy(table_hbm.at[idx_v.at[pl.ds(j1 * ch, ch)]],
                             rows_b, sem_b)
            pltpu.make_async_copy(table_hbm.at[idx_v.at[pl.ds(0, ch)]],
                                  rows_a, sem_a).wait()
            pltpu.sync_copy(rows_a, out_hbm.at[pl.ds(base + (j1 - 1) * ch, ch)])
            j2 = 2 * jj + 2
            pltpu.async_copy(table_hbm.at[idx_v.at[pl.ds(j2 * ch, ch)]],
                             rows_a, sem_a)
            pltpu.make_async_copy(table_hbm.at[idx_v.at[pl.ds(0, ch)]],
                                  rows_b, sem_b).wait()
            pltpu.sync_copy(rows_b, out_hbm.at[pl.ds(base + j1 * ch, ch)])
            return carry

        lax.fori_loop(0, (n_ch - 1) // 2, two, 0)
        pltpu.make_async_copy(table_hbm.at[idx_v.at[pl.ds(0, ch)]],
                              rows_a, sem_a).wait()
        pltpu.sync_copy(rows_a, out_hbm.at[pl.ds(base + (n_ch - 1) * ch, ch)])

    return gather_kernel(table, idx)


def _tc_main_body(g_ref, d_ref, rh_ref, mu_ref, sg_ref, w_ref, b_ref, c0_ref, c1_ref, c2_ref, c3_ref):
    gc = g_ref[...]
    d_row = jnp.maximum(d_ref[0], 1e-6)
    inv_row = 1.0 / d_row
    cut_row = jnp.where(d_row < HARD_CUTOFF,
                        0.5 * (jnp.cos(jnp.pi / HARD_CUTOFF * d_row) + 1.0), 0.0)
    cutsq = (cut_row * cut_row).reshape(C, 1)
    invc = inv_row.reshape(C, 1)
    z = (invc - mu_ref[...]) / sg_ref[...]
    sense = jnp.exp(-0.5 * z * z)

    gb = gc.astype(jnp.bfloat16)
    gs_all = jnp.dot(gb, w_ref[...], preferred_element_type=jnp.float32)
    e_all = jnp.dot(sense.astype(jnp.bfloat16), b_ref[...],
                    preferred_element_type=jnp.float32)
    prod = e_all * gs_all
    q = prod[:, 0:NF]
    for s in range(1, N_DIST):
        q = q + prod[:, s * NF:(s + 1) * NF]

    rh = rh_ref[0] * cutsq
    c0_ref[...] = rh[:, 0:1] * q
    c1_ref[...] = rh[:, 1:2] * q
    c2_ref[...] = rh[:, 2:3] * q
    c3_ref[...] = rh[:, 3:4] * q


def _tc_main(g, dist3, rhat3, mu2, sg2, wcat, bsel):
    return pl.pallas_call(
        _tc_main_body,
        grid=(NB,),
        in_specs=[
            pl.BlockSpec((C, NF), lambda i: (i, 0)),
            pl.BlockSpec((1, 1, C), lambda i: (i, 0, 0)),
            pl.BlockSpec((1, C, 8), lambda i: (i, 0, 0)),
            pl.BlockSpec((1, N_DIST), lambda i: (0, 0)),
            pl.BlockSpec((1, N_DIST), lambda i: (0, 0)),
            pl.BlockSpec((NF, N_DIST * NF), lambda i: (0, 0)),
            pl.BlockSpec((N_DIST, N_DIST * NF), lambda i: (0, 0)),
        ],
        out_specs=[pl.BlockSpec((C, NF), lambda i: (i, 0))] * 4,
        out_shape=[jax.ShapeDtypeStruct((P_PAD, NF), jnp.float32)] * 4,
        compiler_params=pltpu.CompilerParams(
            dimension_semantics=("arbitrary",),
        ),
    )(g, dist3, rhat3, mu2, sg2, wcat, bsel)


def _sc_scatter(c0, c1, c2, c3, pf, zrows):
    mesh = plsc.VectorSubcoreMesh(core_axis_name="c", subcore_axis_name="s")

    @functools.partial(
        pl.kernel,
        mesh=mesh,
        out_type=jax.ShapeDtypeStruct((2, 4, PADROWS, NF), jnp.float32),
        scratch_types=[
            pltpu.VMEM((SCH, NF), jnp.float32),
            pltpu.VMEM((SCH, NF), jnp.float32),
            pltpu.VMEM((PFB,), jnp.int32),
            pltpu.VMEM((N_SCH, 1, SCH), jnp.int32),
            pltpu.VMEM_SHARED((ROWS, NF), jnp.float32),
            pltpu.SemaphoreType.DMA,
            pltpu.SemaphoreType.DMA,
        ],
    )
    def scatter_kernel(c0_hbm, c1_hbm, c2_hbm, c3_hbm, pf_hbm, z_hbm, out_hbm,
                       buf_a, buf_b, pfb, idx2, acc, sem_a, sem_b):
        ph = lax.axis_index("c")
        sid = lax.axis_index("s")
        base = ph * PPH + sid * PPT
        c_refs = (c0_hbm, c1_hbm, c2_hbm, c3_hbm)

        pltpu.sync_copy(pf_hbm.at[pl.ds(base, PFB)], pfb)

        def prep(j, carry):
            for kk in range(SCH // 16):
                pos = j * SCH + kk * 16 + lax.iota(jnp.int32, 16)
                v = pfb[pl.ds(j * SCH + kk * 16, 16)]
                inr = (v >= 0) & (v < N_ATOMS) & (pos < PPT)
                dummy = PADROWS + (v & (DUMROWS - 1))
                idx2[j, 0, pl.ds(kk * 16, 16)] = jnp.where(inr, v, dummy)
            return carry

        lax.fori_loop(0, N_SCH, prep, 0)

        for tp in range(4):
            pltpu.sync_copy(z_hbm, acc.at[pl.ds(sid * ZR, ZR)])
            plsc.subcore_barrier()
            src = c_refs[tp]

            pltpu.async_copy(src.at[pl.ds(base, SCH), :], buf_a, sem_a)

            def two(jj, carry):
                j1 = 2 * jj + 1
                pltpu.async_copy(src.at[pl.ds(base + j1 * SCH, SCH), :],
                                 buf_b, sem_b)
                pltpu.make_async_copy(src.at[pl.ds(base, SCH), :],
                                      buf_a, sem_a).wait()
                pltpu.sync_copy(buf_a, acc.at[idx2.at[j1 - 1, 0]], add=True)
                j2 = 2 * jj + 2
                pltpu.async_copy(src.at[pl.ds(base + j2 * SCH, SCH), :],
                                 buf_a, sem_a)
                pltpu.make_async_copy(src.at[pl.ds(base, SCH), :],
                                      buf_b, sem_b).wait()
                pltpu.sync_copy(buf_b, acc.at[idx2.at[j1, 0]], add=True)
                return carry

            lax.fori_loop(0, (N_SCH - 1) // 2, two, 0)
            pltpu.make_async_copy(src.at[pl.ds(base, SCH), :],
                                  buf_a, sem_a).wait()
            pltpu.sync_copy(buf_a, acc.at[idx2.at[N_SCH - 1, 0]], add=True)

            plsc.subcore_barrier()
            pltpu.sync_copy(acc.at[pl.ds(sid * OR_, OR_)],
                            out_hbm.at[ph, tp, pl.ds(sid * OR_, OR_)])
            plsc.subcore_barrier()

    return scatter_kernel(c0, c1, c2, c3, pf, zrows)


AB = PADROWS // 4


def _tc_tail_body(tf_ref, feat_ref, sw_ref, sb_ref, mw_ref, gg_ref, gb_ref, o_ref):
    tfr = tf_ref[0] + tf_ref[1]
    t0 = tfr[0]
    t1 = tfr[1]
    t2 = tfr[2]
    t3 = tfr[3]
    inv1 = t0
    inv2 = t1 * t1 + t2 * t2 + t3 * t3
    acc = jnp.zeros((AB, NF), jnp.float32)
    for gidx, xg in ((0, inv1), (1, inv2)):
        m = jnp.mean(xg, axis=1, keepdims=True)
        xc = xg - m
        v = jnp.mean(xc * xc, axis=1, keepdims=True)
        xn = xc * lax.rsqrt(v + GN_EPS)
        xn = xn * gg_ref[gidx:gidx + 1, :] + gb_ref[gidx:gidx + 1, :]
        mg = mw_ref[:, gidx, :]
        acc = acc + jnp.dot(xn, mg, preferred_element_type=jnp.float32)
    selfp = lax.dot_general(feat_ref[...], sw_ref[...], (((1,), (1,)), ((), ())),
                            preferred_element_type=jnp.float32) + sb_ref[...]
    o_ref[...] = acc + selfp


def _tc_tail(tfq, feat, sw, sb2, mw, gg2, gb2):
    nblk = 4
    return pl.pallas_call(
        _tc_tail_body,
        grid=(nblk,),
        in_specs=[
            pl.BlockSpec((2, 4, AB, NF), lambda i: (0, 0, i, 0)),
            pl.BlockSpec((AB, NF), lambda i: (i, 0)),
            pl.BlockSpec((NF, NF), lambda i: (0, 0)),
            pl.BlockSpec((1, NF), lambda i: (0, 0)),
            pl.BlockSpec((NF, 2, NF), lambda i: (0, 0, 0)),
            pl.BlockSpec((2, NF), lambda i: (0, 0)),
            pl.BlockSpec((2, NF), lambda i: (0, 0)),
        ],
        out_specs=pl.BlockSpec((AB, NF), lambda i: (i, 0)),
        out_shape=jax.ShapeDtypeStruct((N_ATOMS, NF), jnp.float32),
        compiler_params=pltpu.CompilerParams(
            dimension_semantics=("arbitrary",),
        ),
    )(tfq, feat, sw, sb2, mw, gg2, gb2)


def kernel(in_features, pair_first, pair_second, dist_pairs, tensor_rhats,
           sense_mu, sense_sigma, int_weights, selfint_W, selfint_b,
           mixing_weights, gn_gamma, gn_beta):
    g = _sc_gather(in_features, pair_second)

    dist3 = dist_pairs.reshape(NB, 1, C)
    rhat8 = jnp.concatenate(
        [tensor_rhats, jnp.zeros((N_PAIRS, 4), jnp.float32)], axis=1)
    rhat3 = rhat8.reshape(NB, C, 8)
    mu2 = sense_mu.reshape(1, N_DIST)
    sg2 = sense_sigma.reshape(1, N_DIST)

    wcat = int_weights.transpose(2, 0, 1).reshape(NF, N_DIST * NF).astype(jnp.bfloat16)
    bsel = (jnp.arange(N_DIST * NF)[None, :] // NF ==
            jnp.arange(N_DIST)[:, None]).astype(jnp.bfloat16)
    c0, c1, c2, c3 = _tc_main(g, dist3, rhat3, mu2, sg2, wcat, bsel)

    zrows = jnp.zeros((ZR, NF), jnp.float32)
    pf_pad = jnp.concatenate(
        [pair_first, jnp.full((P_PAD - N_PAIRS,), 1 << 29, jnp.int32)])
    tfq = _sc_scatter(c0, c1, c2, c3, pf_pad, zrows)

    out = _tc_tail(tfq, in_features, selfint_W, selfint_b.reshape(1, NF),
                   mixing_weights, gn_gamma.reshape(2, NF),
                   gn_beta.reshape(2, NF))
    return out

# --- scband reference (transcript-rebuilt; emitter-appended) ---
"""Pipeline reference for scband-hopinteraction-layer-36558761624331 (READ-ONLY COPY).

The authoritative reference and input builder live on the scoring server;
editing this copy changes nothing except your own understanding.
"""

import jax, jax.numpy as jnp
import numpy as np

N_ATOMS = 10000
N_PAIRS = 160000
NF_IN = 128
NF_OUT = 128
N_DIST = 10
NTC = 4
N_INV = 2
MIND = 0.85
MAXD = 5.0
HARD_CUTOFF = 5.5
GN_EPS = 1e-05


def _sensitivity(d, mu, sigma):
    # HIP-NN style inverse-distance gaussian sensitivities with smooth hard cutoff
    d = jnp.maximum(d, 1e-6)
    inv = 1.0 / d
    base = jnp.exp(-0.5 * ((inv[:, None] - mu[None, :]) / sigma[None, :]) ** 2)
    cut = jnp.where(d < HARD_CUTOFF, (0.5 * (jnp.cos(jnp.pi * d / HARD_CUTOFF) + 1.0)) ** 2, 0.0)
    return base * cut[:, None]


def _envsum(sense_flat, feat, pair_first, pair_second, n_atoms):
    # env[i, s, f] = sum over pairs p with pair_first[p]==i of sense_flat[p, s] * feat[pair_second[p], f]
    gathered = jnp.take(feat, pair_second, axis=0)  # [P, NF_IN]
    cols = []
    for s in range(sense_flat.shape[1]):
        cols.append(jax.ops.segment_sum(sense_flat[:, s:s + 1] * gathered, pair_first, num_segments=n_atoms))
    return jnp.stack(cols, axis=1)  # [N, S, NF_IN]


def setup_inputs(seed: int = 0) -> dict:
    key = jax.random.key(seed)
    ks = jax.random.split(key, 16)
    in_features = jax.random.normal(ks[0], (N_ATOMS, NF_IN), dtype=jnp.float32)
    pair_first = jax.random.randint(ks[1], (N_PAIRS,), 0, N_ATOMS, dtype=jnp.int32)
    pair_second = jax.random.randint(ks[2], (N_PAIRS,), 0, N_ATOMS, dtype=jnp.int32)
    dist_pairs = jax.random.uniform(ks[3], (N_PAIRS,), dtype=jnp.float32, minval=MIND, maxval=HARD_CUTOFF)
    rvec = jax.random.normal(ks[4], (N_PAIRS, 3), dtype=jnp.float32)
    rhat = rvec / (jnp.linalg.norm(rvec, axis=1, keepdims=True) + 1e-9)
    tensor_rhats = jnp.concatenate([jnp.ones((N_PAIRS, 1), dtype=jnp.float32), rhat], axis=1)  # [P, 4]
    sense_mu = jnp.linspace(1.0 / MAXD, 1.0 / MIND, N_DIST).astype(jnp.float32)
    sense_sigma = jnp.full((N_DIST,), (1.0 / MIND - 1.0 / MAXD) / N_DIST, dtype=jnp.float32)
    xav = (2.0 / (NF_IN + NF_OUT)) ** 0.5
    int_weights = jax.random.normal(ks[5], (N_DIST, NF_OUT, NF_IN), dtype=jnp.float32) * xav
    selfint_W = jax.random.normal(ks[6], (NF_OUT, NF_IN), dtype=jnp.float32) * xav
    selfint_b = jnp.zeros((NF_OUT,), dtype=jnp.float32)
    mixing_weights = jax.random.normal(ks[7], (NF_OUT, N_INV, NF_OUT), dtype=jnp.float32) * (2.0 / (N_INV * NF_OUT + NF_OUT)) ** 0.5
    gn_gamma = jnp.ones((N_INV * NF_OUT,), dtype=jnp.float32)
    gn_beta = jnp.zeros((N_INV * NF_OUT,), dtype=jnp.float32)
    return {
        "in_features": in_features,
        "pair_first": pair_first,
        "pair_second": pair_second,
        "dist_pairs": dist_pairs,
        "tensor_rhats": tensor_rhats,
        "sense_mu": sense_mu,
        "sense_sigma": sense_sigma,
        "int_weights": int_weights,
        "selfint_W": selfint_W,
        "selfint_b": selfint_b,
        "mixing_weights": mixing_weights,
        "gn_gamma": gn_gamma,
        "gn_beta": gn_beta,
    }


def reference(in_features, pair_first, pair_second, dist_pairs, tensor_rhats, sense_mu, sense_sigma, int_weights, selfint_W, selfint_b, mixing_weights, gn_gamma, gn_beta):
    n_atoms = in_features.shape[0]
    n_pair = dist_pairs.shape[0]
    features_out_selfpart = in_features @ selfint_W.T + selfint_b
    sense_scalar = _sensitivity(dist_pairs, sense_mu, sense_sigma)  # [P, N_DIST]
    sensitivity = sense_scalar[:, None, :] * tensor_rhats[:, :, None]  # [P, NTC, N_DIST]
    sense_flat = sensitivity.reshape(n_pair, NTC * N_DIST)
    env_features = _envsum(sense_flat, in_features, pair_first, pair_second, n_atoms)  # [N, NTC*N_DIST, NF_IN]
    weights_rs = jnp.transpose(int_weights, (0, 2, 1)).reshape(N_DIST * NF_IN, NF_OUT)
    env_rs = env_features.reshape(n_atoms * NTC, N_DIST * NF_IN)
    tensor_features = env_rs @ weights_rs  # [N*NTC, NF_OUT]
    tensor_features = tensor_features.reshape(n_atoms, NTC, NF_OUT).transpose(0, 2, 1).reshape(n_atoms * NF_OUT, NTC)
    # HopInvariantLayer (n_max=2, l_max=1): linear invariant from l=0 comp, quadratic invariant from l=1 comps
    inv1 = tensor_features[:, 0:1]
    inv2 = jnp.sum(tensor_features[:, 1:4] ** 2, axis=1, keepdims=True)
    invariants = jnp.concatenate([inv1, inv2], axis=1)  # [N*NF_OUT, N_INV]
    invariants = invariants.reshape(n_atoms, NF_OUT, N_INV)
    # GroupNorm(num_groups=N_INV, channels=N_INV*NF_OUT)
    x = invariants.transpose(0, 2, 1).reshape(n_atoms, N_INV, NF_OUT)
    mean = jnp.mean(x, axis=2, keepdims=True)
    var = jnp.var(x, axis=2, keepdims=True)
    xn = (x - mean) / jnp.sqrt(var + GN_EPS)
    xn = xn.reshape(n_atoms, N_INV * NF_OUT) * gn_gamma + gn_beta
    normalized_invariants = xn.reshape(n_atoms, N_INV, NF_OUT).transpose(0, 2, 1).reshape(n_atoms, NF_OUT * N_INV)
    mixing_features = normalized_invariants @ mixing_weights.reshape(NF_OUT * N_INV, NF_OUT)
    total_out = mixing_features + features_out_selfpart
    return total_out

if __name__ == "__main__":
    import jax
    _d = setup_inputs()
    print(jax.jit(kernel)(*tuple(_d.values())))

</pallas_src>

<mosaic_0001>
#map = affine_map<(d0, d1) -> (0, 0)>
#map1 = affine_map<(d0, d1) -> (0)>
module attributes {stable_mosaic.version = 14 : i64} {
  func.func @gather_kernel(%arg0: i32, %arg1: i32, %arg2: memref<10000x128xf32, #tpu.memory_space<hbm>>, %arg3: memref<160000xi32, #tpu.memory_space<hbm>>, %arg4: memref<160000x128xf32, #tpu.memory_space<hbm>>, %arg5: memref<5000xi32, #tpu.memory_space<vmem>>, %arg6: memref<200x128xf32, #tpu.memory_space<vmem>>, %arg7: memref<200x128xf32, #tpu.memory_space<vmem>>, %arg8: memref<!tpu.dma_semaphore, #tpu.memory_space<semaphore_mem>>, %arg9: memref<!tpu.dma_semaphore, #tpu.memory_space<semaphore_mem>>) attributes {dimension_semantics = [#tpu.dimension_semantics<core_parallel>, #tpu.dimension_semantics<subcore_parallel>], iteration_bounds = array<i64: 2, 16>, scalar_prefetch = 0 : i64, scratch_operands = 5 : i64, tpu.core_type = #tpu.core_type<sc_vector_subcore>, window_params = [{transform_indices = #map}, {transform_indices = #map1}, {transform_indices = #map}]} {
    %mul3A = arith.constant 2 : i32
    %mul3A_0 = arith.muli %arg1, %mul3A : i32
    %add3A = arith.addi %mul3A_0, %arg0 : i32
    %mul3A_1 = arith.constant 5000 : i32
    %mul3A_2 = arith.muli %add3A, %mul3A_1 : i32
    "tpu.region"() ({
      %run_scoped3A = tpu.sem_alloc : memref<!tpu.dma_semaphore, #tpu.memory_space<semaphore_mem>>
      %dma_start3A_18 = tpu.memref_slice %arg3[%mul3A_2] : memref<160000xi32, #tpu.memory_space<hbm>> -> memref<5000xi32, #tpu.memory_space<hbm>>
      %dma_start3A_19 = tpu.memref_slice %arg3[%mul3A_2] : memref<160000xi32, #tpu.memory_space<hbm>> -> memref<5000xi32, #tpu.memory_space<hbm>>
      tpu.enqueue_dma source(%dma_start3A_19 : memref<5000xi32, #tpu.memory_space<hbm>>) target(%arg5 : memref<5000xi32, #tpu.memory_space<vmem>>) target_semaphore(%run_scoped3A : memref<!tpu.dma_semaphore, #tpu.memory_space<semaphore_mem>>)
      %dma_wait3A_20 = tpu.memref_slice %arg3[%mul3A_2] : memref<160000xi32, #tpu.memory_space<hbm>> -> memref<5000xi32, #tpu.memory_space<hbm>>
      %dma_wait3A_21 = tpu.memref_slice %arg3[%mul3A_2] : memref<160000xi32, #tpu.memory_space<hbm>> -> memref<5000xi32, #tpu.memory_space<hbm>>
      tpu.wait_dma2 semaphore(%run_scoped3A : memref<!tpu.dma_semaphore, #tpu.memory_space<semaphore_mem>>) src(%dma_wait3A_21 : memref<5000xi32, #tpu.memory_space<hbm>>) dst(%arg5 : memref<5000xi32, #tpu.memory_space<vmem>>)
      tpu.yield
    }) : () -> ()
    %dma_start3A = arith.constant 0 : i32
    %dma_start3A_3 = tpu.memref_slice %arg5[%dma_start3A] : memref<5000xi32, #tpu.memory_space<vmem>> -> memref<200xi32, #tpu.memory_space<vmem>>
    %dma_start3A_4 = arith.constant 0 : i32
    %dma_start3A_5 = arith.constant 0 : i32
    %dma_start3A_6 = tpu.memref_slice %arg2[%dma_start3A_4, %dma_start3A_5] : memref<10000x128xf32, #tpu.memory_space<hbm>> -> memref<10000x128xf32, #tpu.memory_space<hbm>>
    tpu.enqueue_indirect_dma source(%dma_start3A_6 : memref<10000x128xf32, #tpu.memory_space<hbm>>) target(%arg6 : memref<200x128xf32, #tpu.memory_space<vmem>>) offsets(%dma_start3A_3 : memref<200xi32, #tpu.memory_space<vmem>>) semaphore(%arg8 : memref<!tpu.dma_semaphore, #tpu.memory_space<semaphore_mem>>)
    %scan3A = arith.constant 0 : i32
    %scan3A_7 = arith.constant 0 : i32
    %scan3A_8 = arith.constant 12 : i32
    %scan3A_9 = arith.addi %scan3A_7, %scan3A_8 : i32
    %scan3A_10 = arith.constant 1 : i32
    scf.for %scan3A_18 = %scan3A_7 to %scan3A_9 step %scan3A_10  : i32 {
      %mul3A_19 = arith.constant 2 : i32
      %mul3A_20 = arith.muli %mul3A_19, %scan3A_18 : i32
      %add3A_21 = arith.constant 1 : i32
      %add3A_22 = arith.addi %mul3A_20, %add3A_21 : i32
      %mul3A_23 = arith.constant 200 : i32
      %mul3A_24 = arith.muli %add3A_22, %mul3A_23 : i32
      %dma_start3A_25 = tpu.memref_slice %arg5[%mul3A_24] : memref<5000xi32, #tpu.memory_space<vmem>> -> memref<200xi32, #tpu.memory_space<vmem>>
      %dma_start3A_26 = arith.constant 0 : i32
      %dma_start3A_27 = arith.constant 0 : i32
      %dma_start3A_28 = tpu.memref_slice %arg2[%dma_start3A_26, %dma_start3A_27] : memref<10000x128xf32, #tpu.memory_space<hbm>> -> memref<10000x128xf32, #tpu.memory_space<hbm>>
      tpu.enqueue_indirect_dma source(%dma_start3A_28 : memref<10000x128xf32, #tpu.memory_space<hbm>>) target(%arg7 : memref<200x128xf32, #tpu.memory_space<vmem>>) offsets(%dma_start3A_25 : memref<200xi32, #tpu.memory_space<vmem>>) semaphore(%arg9 : memref<!tpu.dma_semaphore, #tpu.memory_space<semaphore_mem>>)
      %dma_wait3A_29 = arith.constant 0 : i32
      %dma_wait3A_30 = tpu.memref_slice %arg5[%dma_wait3A_29] : memref<5000xi32, #tpu.memory_space<vmem>> -> memref<200xi32, #tpu.memory_space<vmem>>
      %dma_wait3A_31 = arith.constant 0 : i32
      %dma_wait3A_32 = arith.constant 0 : i32
      %dma_wait3A_33 = tpu.memref_slice %arg2[%dma_wait3A_31, %dma_wait3A_32] : memref<10000x128xf32, #tpu.memory_space<hbm>> -> memref<10000x128xf32, #tpu.memory_space<hbm>>
      tpu.wait_indirect_dma semaphore(%arg8 : memref<!tpu.dma_semaphore, #tpu.memory_space<semaphore_mem>>) src(%dma_wait3A_33 : memref<10000x128xf32, #tpu.memory_space<hbm>>) dst(%arg6 : memref<200x128xf32, #tpu.memory_space<vmem>>)
      %sub3A = arith.constant 1 : i32
      %sub3A_34 = arith.subi %add3A_22, %sub3A : i32
      %mul3A_35 = arith.constant 200 : i32
      %mul3A_36 = arith.muli %sub3A_34, %mul3A_35 : i32
      %add3A_37 = arith.addi %mul3A_2, %mul3A_36 : i32
      "tpu.region"() ({
        %run_scoped3A = tpu.sem_alloc : memref<!tpu.dma_semaphore, #tpu.memory_space<semaphore_mem>>
        %dma_start3A_56 = arith.constant 0 : i32
        %dma_start3A_57 = tpu.memref_slice %arg4[%add3A_37, %dma_start3A_56] : memref<160000x128xf32, #tpu.memory_space<hbm>> -> memref<200x128xf32, #tpu.memory_space<hbm>>
        %dma_start3A_58 = arith.constant 0 : i32
        %dma_start3A_59 = tpu.memref_slice %arg4[%add3A_37, %dma_start3A_58] : memref<160000x128xf32, #tpu.memory_space<hbm>> -> memref<200x128xf32, #tpu.memory_space<hbm>>
        tpu.enqueue_dma source(%arg6 : memref<200x128xf32, #tpu.memory_space<vmem>>) target(%dma_start3A_59 : memref<200x128xf32, #tpu.memory_space<hbm>>) target_semaphore(%run_scoped3A : memref<!tpu.dma_semaphore, #tpu.memory_space<semaphore_mem>>)
        %dma_wait3A_60 = arith.constant 0 : i32
        %dma_wait3A_61 = tpu.memref_slice %arg4[%add3A_37, %dma_wait3A_60] : memref<160000x128xf32, #tpu.memory_space<hbm>> -> memref<200x128xf32, #tpu.memory_space<hbm>>
        %dma_wait3A_62 = arith.constant 0 : i32
        %dma_wait3A_63 = tpu.memref_slice %arg4[%add3A_37, %dma_wait3A_62] : memref<160000x128xf32, #tpu.memory_space<hbm>> -> memref<200x128xf32, #tpu.memory_space<hbm>>
        tpu.wait_dma2 semaphore(%run_scoped3A : memref<!tpu.dma_semaphore, #tpu.memory_space<semaphore_mem>>) src(%arg6 : memref<200x128xf32, #tpu.memory_space<vmem>>) dst(%dma_wait3A_63 : memref<200x128xf32, #tpu.memory_space<hbm>>)
        tpu.yield
      }) : () -> ()
      %mul3A_38 = arith.constant 2 : i32
      %mul3A_39 = arith.muli %mul3A_38, %scan3A_18 : i32
      %add3A_40 = arith.constant 2 : i32
      %add3A_41 = arith.addi %mul3A_39, %add3A_40 : i32
      %mul3A_42 = arith.constant 200 : i32
      %mul3A_43 = arith.muli %add3A_41, %mul3A_42 : i32
      %dma_start3A_44 = tpu.memref_slice %arg5[%mul3A_43] : memref<5000xi32, #tpu.memory_space<vmem>> -> memref<200xi32, #tpu.memory_space<vmem>>
      %dma_start3A_45 = arith.constant 0 : i32
      %dma_start3A_46 = arith.constant 0 : i32
      %dma_start3A_47 = tpu.memref_slice %arg2[%dma_start3A_45, %dma_start3A_46] : memref<10000x128xf32, #tpu.memory_space<hbm>> -> memref<10000x128xf32, #tpu.memory_space<hbm>>
      tpu.enqueue_indirect_dma source(%dma_start3A_47 : memref<10000x128xf32, #tpu.memory_space<hbm>>) target(%arg6 : memref<200x128xf32, #tpu.memory_space<vmem>>) offsets(%dma_start3A_44 : memref<200xi32, #tpu.memory_space<vmem>>) semaphore(%arg8 : memref<!tpu.dma_semaphore, #tpu.memory_space<semaphore_mem>>)
      %dma_wait3A_48 = arith.constant 0 : i32
      %dma_wait3A_49 = tpu.memref_slice %arg5[%dma_wait3A_48] : memref<5000xi32, #tpu.memory_space<vmem>> -> memref<200xi32, #tpu.memory_space<vmem>>
      %dma_wait3A_50 = arith.constant 0 : i32
      %dma_wait3A_51 = arith.constant 0 : i32
      %dma_wait3A_52 = tpu.memref_slice %arg2[%dma_wait3A_50, %dma_wait3A_51] : memref<10000x128xf32, #tpu.memory_space<hbm>> -> memref<10000x128xf32, #tpu.memory_space<hbm>>
      tpu.wait_indirect_dma semaphore(%arg9 : memref<!tpu.dma_semaphore, #tpu.memory_space<semaphore_mem>>) src(%dma_wait3A_52 : memref<10000x128xf32, #tpu.memory_space<hbm>>) dst(%arg7 : memref<200x128xf32, #tpu.memory_space<vmem>>)
      %mul3A_53 = arith.constant 200 : i32
      %mul3A_54 = arith.muli %add3A_22, %mul3A_53 : i32
      %add3A_55 = arith.addi %mul3A_2, %mul3A_54 : i32
      "tpu.region"() ({
        %run_scoped3A = tpu.sem_alloc : memref<!tpu.dma_semaphore, #tpu.memory_space<semaphore_mem>>
        %dma_start3A_56 = arith.constant 0 : i32
        %dma_start3A_57 = tpu.memref_slice %arg4[%add3A_55, %dma_start3A_56] : memref<160000x128xf32, #tpu.memory_space<hbm>> -> memref<200x128xf32, #tpu.memory_space<hbm>>
        %dma_start3A_58 = arith.constant 0 : i32
        %dma_start3A_59 = tpu.memref_slice %arg4[%add3A_55, %dma_start3A_58] : memref<160000x128xf32, #tpu.memory_space<hbm>> -> memref<200x128xf32, #tpu.memory_space<hbm>>
        tpu.enqueue_dma source(%arg7 : memref<200x128xf32, #tpu.memory_space<vmem>>) target(%dma_start3A_59 : memref<200x128xf32, #tpu.memory_space<hbm>>) target_semaphore(%run_scoped3A : memref<!tpu.dma_semaphore, #tpu.memory_space<semaphore_mem>>)
        %dma_wait3A_60 = arith.constant 0 : i32
        %dma_wait3A_61 = tpu.memref_slice %arg4[%add3A_55, %dma_wait3A_60] : memref<160000x128xf32, #tpu.memory_space<hbm>> -> memref<200x128xf32, #tpu.memory_space<hbm>>
        %dma_wait3A_62 = arith.constant 0 : i32
        %dma_wait3A_63 = tpu.memref_slice %arg4[%add3A_55, %dma_wait3A_62] : memref<160000x128xf32, #tpu.memory_space<hbm>> -> memref<200x128xf32, #tpu.memory_space<hbm>>
        tpu.wait_dma2 semaphore(%run_scoped3A : memref<!tpu.dma_semaphore, #tpu.memory_space<semaphore_mem>>) src(%arg7 : memref<200x128xf32, #tpu.memory_space<vmem>>) dst(%dma_wait3A_63 : memref<200x128xf32, #tpu.memory_space<hbm>>)
        tpu.yield
      }) : () -> ()
    }
    %scan3A_11 = arith.constant 12 : i32
    %dma_wait3A = arith.constant 0 : i32
    %dma_wait3A_12 = tpu.memref_slice %arg5[%dma_wait3A] : memref<5000xi32, #tpu.memory_space<vmem>> -> memref<200xi32, #tpu.memory_space<vmem>>
    %dma_wait3A_13 = arith.constant 0 : i32
    %dma_wait3A_14 = arith.constant 0 : i32
    %dma_wait3A_15 = tpu.memref_slice %arg2[%dma_wait3A_13, %dma_wait3A_14] : memref<10000x128xf32, #tpu.memory_space<hbm>> -> memref<10000x128xf32, #tpu.memory_space<hbm>>
    tpu.wait_indirect_dma semaphore(%arg8 : memref<!tpu.dma_semaphore, #tpu.memory_space<semaphore_mem>>) src(%dma_wait3A_15 : memref<10000x128xf32, #tpu.memory_space<hbm>>) dst(%arg6 : memref<200x128xf32, #tpu.memory_space<vmem>>)
    %add3A_16 = arith.constant 4800 : i32
    %add3A_17 = arith.addi %mul3A_2, %add3A_16 : i32
    "tpu.region"() ({
      %run_scoped3A = tpu.sem_alloc : memref<!tpu.dma_semaphore, #tpu.memory_space<semaphore_mem>>
      %dma_start3A_18 = arith.constant 0 : i32
      %dma_start3A_19 = tpu.memref_slice %arg4[%add3A_17, %dma_start3A_18] : memref<160000x128xf32, #tpu.memory_space<hbm>> -> memref<200x128xf32, #tpu.memory_space<hbm>>
      %dma_start3A_20 = arith.constant 0 : i32
      %dma_start3A_21 = tpu.memref_slice %arg4[%add3A_17, %dma_start3A_20] : memref<160000x128xf32, #tpu.memory_space<hbm>> -> memref<200x128xf32, #tpu.memory_space<hbm>>
      tpu.enqueue_dma source(%arg6 : memref<200x128xf32, #tpu.memory_space<vmem>>) target(%dma_start3A_21 : memref<200x128xf32, #tpu.memory_space<hbm>>) target_semaphore(%run_scoped3A : memref<!tpu.dma_semaphore, #tpu.memory_space<semaphore_mem>>)
      %dma_wait3A_22 = arith.constant 0 : i32
      %dma_wait3A_23 = tpu.memref_slice %arg4[%add3A_17, %dma_wait3A_22] : memref<160000x128xf32, #tpu.memory_space<hbm>> -> memref<200x128xf32, #tpu.memory_space<hbm>>
      %dma_wait3A_24 = arith.constant 0 : i32
      %dma_wait3A_25 = tpu.memref_slice %arg4[%add3A_17, %dma_wait3A_24] : memref<160000x128xf32, #tpu.memory_space<hbm>> -> memref<200x128xf32, #tpu.memory_space<hbm>>
      tpu.wait_dma2 semaphore(%run_scoped3A : memref<!tpu.dma_semaphore, #tpu.memory_space<semaphore_mem>>) src(%arg6 : memref<200x128xf32, #tpu.memory_space<vmem>>) dst(%dma_wait3A_25 : memref<200x128xf32, #tpu.memory_space<hbm>>)
      tpu.yield
    }) : () -> ()
    return
  }
}

#map = affine_map<(d0, d1) -> (0, 0)>
#map1 = affine_map<(d0, d1) -> (0)>
#map2 = affine_map<(d0, d1) -> (0, 0, 0, 0)>
module attributes {stable_mosaic.version = 14 : i64} {
  func.func @scatter_kernel(%arg0: i32, %arg1: i32, %arg2: memref<160640x128xf32, #tpu.memory_space<hbm>>, %arg3: memref<160640x128xf32, #tpu.memory_space<hbm>>, %arg4: memref<160640x128xf32, #tpu.memory_space<hbm>>, %arg5: memref<160640x128xf32, #tpu.memory_space<hbm>>, %arg6: memref<160640xi32, #tpu.memory_space<hbm>>, %arg7: memref<640x128xf32, #tpu.memory_space<hbm>>, %arg8: memref<2x4x10112x128xf32, #tpu.memory_space<hbm>>, %arg9: memref<80x128xf32, #tpu.memory_space<vmem>>, %arg10: memref<80x128xf32, #tpu.memory_space<vmem>>, %arg11: memref<5056xi32, #tpu.memory_space<vmem>>, %arg12: memref<63x1x80xi32, #tpu.memory_space<vmem>>, %arg13: memref<10240x128xf32, #tpu.memory_space<vmem_shared>>, %arg14: memref<!tpu.dma_semaphore, #tpu.memory_space<semaphore_mem>>, %arg15: memref<!tpu.dma_semaphore, #tpu.memory_space<semaphore_mem>>) attributes {dimension_semantics = [#tpu.dimension_semantics<core_parallel>, #tpu.dimension_semantics<subcore_parallel>], iteration_bounds = array<i64: 2, 16>, scalar_prefetch = 0 : i64, scratch_operands = 7 : i64, tpu.core_type = #tpu.core_type<sc_vector_subcore>, window_params = [{transform_indices = #map}, {transform_indices = #map}, {transform_indices = #map}, {transform_indices = #map}, {transform_indices = #map1}, {transform_indices = #map}, {transform_indices = #map2}]} {
    %mul3A = arith.constant 80000 : i32
    %mul3A_0 = arith.muli %arg0, %mul3A : i32
    %mul3A_1 = arith.constant 5000 : i32
    %mul3A_2 = arith.muli %arg1, %mul3A_1 : i32
    %add3A = arith.addi %mul3A_0, %mul3A_2 : i32
    "tpu.region"() ({
      %run_scoped3A_108 = tpu.sem_alloc : memref<!tpu.dma_semaphore, #tpu.memory_space<semaphore_mem>>
      %dma_start3A_109 = tpu.memref_slice %arg6[%add3A] : memref<160640xi32, #tpu.memory_space<hbm>> -> memref<5056xi32, #tpu.memory_space<hbm>>
      %dma_start3A_110 = tpu.memref_slice %arg6[%add3A] : memref<160640xi32, #tpu.memory_space<hbm>> -> memref<5056xi32, #tpu.memory_space<hbm>>
      tpu.enqueue_dma source(%dma_start3A_110 : memref<5056xi32, #tpu.memory_space<hbm>>) target(%arg11 : memref<5056xi32, #tpu.memory_space<vmem>>) target_semaphore(%run_scoped3A_108 : memref<!tpu.dma_semaphore, #tpu.memory_space<semaphore_mem>>)
      %dma_wait3A_111 = tpu.memref_slice %arg6[%add3A] : memref<160640xi32, #tpu.memory_space<hbm>> -> memref<5056xi32, #tpu.memory_space<hbm>>
      %dma_wait3A_112 = tpu.memref_slice %arg6[%add3A] : memref<160640xi32, #tpu.memory_space<hbm>> -> memref<5056xi32, #tpu.memory_space<hbm>>
      tpu.wait_dma2 semaphore(%run_scoped3A_108 : memref<!tpu.dma_semaphore, #tpu.memory_space<semaphore_mem>>) src(%dma_wait3A_112 : memref<5056xi32, #tpu.memory_space<hbm>>) dst(%arg11 : memref<5056xi32, #tpu.memory_space<vmem>>)
      tpu.yield
    }) : () -> ()
    %scan3A = arith.constant 0 : i32
    %scan3A_3 = arith.constant 0 : i32
    %scan3A_4 = arith.constant 63 : i32
    %scan3A_5 = arith.addi %scan3A_3, %scan3A_4 : i32
    %scan3A_6 = arith.constant 1 : i32
    scf.for %scan3A_108 = %scan3A_3 to %scan3A_5 step %scan3A_6  : i32 {
      %mul3A_109 = arith.constant 80 : i32
      %mul3A_110 = arith.muli %scan3A_108, %mul3A_109 : i32
      %add3A_111 = arith.constant 0 : i32
      %add3A_112 = arith.addi %mul3A_110, %add3A_111 : i32
      %iota3A = tpu.iota {dimensions = array<i32: 0>} : vector<16xi32>
      %add3A_113 = vector.broadcast %add3A_112 : i32 to vector<16xi32>
      %add3A_114 = arith.addi %add3A_113, %iota3A : vector<16xi32>
      %mul3A_115 = arith.constant 80 : i32
      %mul3A_116 = arith.muli %scan3A_108, %mul3A_115 : i32
      %add3A_117 = arith.constant 0 : i32
      %add3A_118 = arith.addi %mul3A_116, %add3A_117 : i32
      %get3A = arith.index_cast %add3A_118 : i32 to index
      %get3A_119 = tpu.vector_load %arg11[%get3A] {strides = array<i32>} : memref<5056xi32, #tpu.memory_space<vmem>>, vector<16xi32>,
      %get3A_120 = vector.shape_cast %get3A_119 : vector<16xi32> to vector<16xi32>
      %ge3A = arith.constant 0 : i32
      %ge3A_121 = vector.broadcast %ge3A : i32 to vector<16xi32>
      %ge3A_122 = arith.cmpi sge, %get3A_120, %ge3A_121 : vector<16xi32>
      %lt3A = arith.constant 10000 : i32
      %lt3A_123 = vector.broadcast %lt3A : i32 to vector<16xi32>
      %lt3A_124 = arith.cmpi slt, %get3A_120, %lt3A_123 : vector<16xi32>
      %and3A = arith.andi %ge3A_122, %lt3A_124 : vector<16xi1>
      %lt3A_125 = arith.constant 5000 : i32
      %lt3A_126 = vector.broadcast %lt3A_125 : i32 to vector<16xi32>
      %lt3A_127 = arith.cmpi slt, %add3A_114, %lt3A_126 : vector<16xi32>
      %and3A_128 = arith.andi %and3A, %lt3A_127 : vector<16xi1>
      %and3A_129 = arith.constant 127 : i32
      %and3A_130 = vector.broadcast %and3A_129 : i32 to vector<16xi32>
      %and3A_131 = arith.andi %get3A_120, %and3A_130 : vector<16xi32>
      %add3A_132 = arith.constant 10112 : i32
      %add3A_133 = vector.broadcast %add3A_132 : i32 to vector<16xi32>
      %add3A_134 = arith.addi %add3A_133, %and3A_131 : vector<16xi32>
      %select_n3A = arith.select %and3A_128, %get3A_120, %add3A_134 : vector<16xi1>, vector<16xi32>
      %swap3A = arith.constant 0 : i32
      %swap3A_135 = arith.index_cast %scan3A_108 : i32 to index
      %swap3A_136 = arith.index_cast %swap3A : i32 to index
      %swap3A_137 = arith.constant 0 : index
      %swap3A_138 = tpu.vector_load %arg12[%swap3A_135, %swap3A_136, %swap3A_137] {strides = array<i32>} : memref<63x1x80xi32, #tpu.memory_space<vmem>>, vector<1x1x16xi32>,
      %swap3A_139 = vector.shape_cast %swap3A_138 : vector<1x1x16xi32> to vector<16xi32>
      %swap3A_140 = vector.shape_cast %select_n3A : vector<16xi32> to vector<1x1x16xi32>
      tpu.vector_store %arg12[%swap3A_135, %swap3A_136, %swap3A_137], %swap3A_140 {strides = array<i32>} : memref<63x1x80xi32, #tpu.memory_space<vmem>>, vector<1x1x16xi32>,
      %mul3A_141 = arith.constant 80 : i32
      %mul3A_142 = arith.muli %scan3A_108, %mul3A_141 : i32
      %add3A_143 = arith.constant 16 : i32
      %add3A_144 = arith.addi %mul3A_142, %add3A_143 : i32
      %iota3A_145 = tpu.iota {dimensions = array<i32: 0>} : vector<16xi32>
      %add3A_146 = vector.broadcast %add3A_144 : i32 to vector<16xi32>
      %add3A_147 = arith.addi %add3A_146, %iota3A_145 : vector<16xi32>
      %mul3A_148 = arith.constant 80 : i32
      %mul3A_149 = arith.muli %scan3A_108, %mul3A_148 : i32
      %add3A_150 = arith.constant 16 : i32
      %add3A_151 = arith.addi %mul3A_149, %add3A_150 : i32
      %get3A_152 = arith.index_cast %add3A_151 : i32 to index
      %get3A_153 = tpu.vector_load %arg11[%get3A_152] {strides = array<i32>} : memref<5056xi32, #tpu.memory_space<vmem>>, vector<16xi32>,
      %get3A_154 = vector.shape_cast %get3A_153 : vector<16xi32> to vector<16xi32>
      %ge3A_155 = arith.constant 0 : i32
      %ge3A_156 = vector.broadcast %ge3A_155 : i32 to vector<16xi32>
      %ge3A_157 = arith.cmpi sge, %get3A_154, %ge3A_156 : vector<16xi32>
      %lt3A_158 = arith.constant 10000 : i32
      %lt3A_159 = vector.broadcast %lt3A_158 : i32 to vector<16xi32>
      %lt3A_160 = arith.cmpi slt, %get3A_154, %lt3A_159 : vector<16xi32>
      %and3A_161 = arith.andi %ge3A_157, %lt3A_160 : vector<16xi1>
      %lt3A_162 = arith.constant 5000 : i32
      %lt3A_163 = vector.broadcast %lt3A_162 : i32 to vector<16xi32>
      %lt3A_164 = arith.cmpi slt, %add3A_147, %lt3A_163 : vector<16xi32>
      %and3A_165 = arith.andi %and3A_161, %lt3A_164 : vector<16xi1>
      %and3A_166 = arith.constant 127 : i32
      %and3A_167 = vector.broadcast %and3A_166 : i32 to vector<16xi32>
      %and3A_168 = arith.andi %get3A_154, %and3A_167 : vector<16xi32>
      %add3A_169 = arith.constant 10112 : i32
      %add3A_170 = vector.broadcast %add3A_169 : i32 to vector<16xi32>
      %add3A_171 = arith.addi %add3A_170, %and3A_168 : vector<16xi32>
      %select_n3A_172 = arith.select %and3A_165, %get3A_154, %add3A_171 : vector<16xi1>, vector<16xi32>
      %swap3A_173 = arith.constant 0 : i32
      %swap3A_174 = arith.index_cast %scan3A_108 : i32 to index
      %swap3A_175 = arith.index_cast %swap3A_173 : i32 to index
      %swap3A_176 = arith.constant 16 : index
      %swap3A_177 = tpu.vector_load %arg12[%swap3A_174, %swap3A_175, %swap3A_176] {strides = array<i32>} : memref<63x1x80xi32, #tpu.memory_space<vmem>>, vector<1x1x16xi32>,
      %swap3A_178 = vector.shape_cast %swap3A_177 : vector<1x1x16xi32> to vector<16xi32>
      %swap3A_179 = vector.shape_cast %select_n3A_172 : vector<16xi32> to vector<1x1x16xi32>
      tpu.vector_store %arg12[%swap3A_174, %swap3A_175, %swap3A_176], %swap3A_179 {strides = array<i32>} : memref<63x1x80xi32, #tpu.memory_space<vmem>>, vector<1x1x16xi32>,
      %mul3A_180 = arith.constant 80 : i32
      %mul3A_181 = arith.muli %scan3A_108, %mul3A_180 : i32
      %add3A_182 = arith.constant 32 : i32
      %add3A_183 = arith.addi %mul3A_181, %add3A_182 : i32
      %iota3A_184 = tpu.iota {dimensions = array<i32: 0>} : vector<16xi32>
      %add3A_185 = vector.broadcast %add3A_183 : i32 to vector<16xi32>
      %add3A_186 = arith.addi %add3A_185, %iota3A_184 : vector<16xi32>
      %mul3A_187 = arith.constant 80 : i32
      %mul3A_188 = arith.muli %scan3A_108, %mul3A_187 : i32
      %add3A_189 = arith.constant 32 : i32
      %add3A_190 = arith.addi %mul3A_188, %add3A_189 : i32
      %get3A_191 = arith.index_cast %add3A_190 : i32 to index
      %get3A_192 = tpu.vector_load %arg11[%get3A_191] {strides = array<i32>} : memref<5056xi32, #tpu.memory_space<vmem>>, vector<16xi32>,
      %get3A_193 = vector.shape_cast %get3A_192 : vector<16xi32> to vector<16xi32>
      %ge3A_194 = arith.constant 0 : i32
      %ge3A_195 = vector.broadcast %ge3A_194 : i32 to vector<16xi32>
      %ge3A_196 = arith.cmpi sge, %get3A_193, %ge3A_195 : vector<16xi32>
      %lt3A_197 = arith.constant 10000 : i32
      %lt3A_198 = vector.broadcast %lt3A_197 : i32 to vector<16xi32>
      %lt3A_199 = arith.cmpi slt, %get3A_193, %lt3A_198 : vector<16xi32>
      %and3A_200 = arith.andi %ge3A_196, %lt3A_199 : vector<16xi1>
      %lt3A_201 = arith.constant 5000 : i32
      %lt3A_202 = vector.broadcast %lt3A_201 : i32 to vector<16xi32>
      %lt3A_203 = arith.cmpi slt, %add3A_186, %lt3A_202 : vector<16xi32>
      %and3A_204 = arith.andi %and3A_200, %lt3A_203 : vector<16xi1>
      %and3A_205 = arith.constant 127 : i32
      %and3A_206 = vector.broadcast %and3A_205 : i32 to vector<16xi32>
      %and3A_207 = arith.andi %get3A_193, %and3A_206 : vector<16xi32>
      %add3A_208 = arith.constant 10112 : i32
      %add3A_209 = vector.broadcast %add3A_208 : i32 to vector<16xi32>
      %add3A_210 = arith.addi %add3A_209, %and3A_207 : vector<16xi32>
      %select_n3A_211 = arith.select %and3A_204, %get3A_193, %add3A_210 : vector<16xi1>, vector<16xi32>
      %swap3A_212 = arith.constant 0 : i32
      %swap3A_213 = arith.index_cast %scan3A_108 : i32 to index
      %swap3A_214 = arith.index_cast %swap3A_212 : i32 to index
      %swap3A_215 = arith.constant 32 : index
      %swap3A_216 = tpu.vector_load %arg12[%swap3A_213, %swap3A_214, %swap3A_215] {strides = array<i32>} : memref<63x1x80xi32, #tpu.memory_space<vmem>>, vector<1x1x16xi32>,
      %swap3A_217 = vector.shape_cast %swap3A_216 : vector<1x1x16xi32> to vector<16xi32>
      %swap3A_218 = vector.shape_cast %select_n3A_211 : vector<16xi32> to vector<1x1x16xi32>
      tpu.vector_store %arg12[%swap3A_213, %swap3A_214, %swap3A_215], %swap3A_218 {strides = array<i32>} : memref<63x1x80xi32, #tpu.memory_space<vmem>>, vector<1x1x16xi32>,
      %mul3A_219 = arith.constant 80 : i32
      %mul3A_220 = arith.muli %scan3A_108, %mul3A_219 : i32
      %add3A_221 = arith.constant 48 : i32
      %add3A_222 = arith.addi %mul3A_220, %add3A_221 : i32
      %iota3A_223 = tpu.iota {dimensions = array<i32: 0>} : vector<16xi32>
      %add3A_224 = vector.broadcast %add3A_222 : i32 to vector<16xi32>
      %add3A_225 = arith.addi %add3A_224, %iota3A_223 : vector<16xi32>
      %mul3A_226 = arith.constant 80 : i32
      %mul3A_227 = arith.muli %scan3A_108, %mul3A_226 : i32
      %add3A_228 = arith.constant 48 : i32
      %add3A_229 = arith.addi %mul3A_227, %add3A_228 : i32
      %get3A_230 = arith.index_cast %add3A_229 : i32 to index
      %get3A_231 = tpu.vector_load %arg11[%get3A_230] {strides = array<i32>} : memref<5056xi32, #tpu.memory_space<vmem>>, vector<16xi32>,
      %get3A_232 = vector.shape_cast %get3A_231 : vector<16xi32> to vector<16xi32>
      %ge3A_233 = arith.constant 0 : i32
      %ge3A_234 = vector.broadcast %ge3A_233 : i32 to vector<16xi32>
      %ge3A_235 = arith.cmpi sge, %get3A_232, %ge3A_234 : vector<16xi32>
      %lt3A_236 = arith.constant 10000 : i32
      %lt3A_237 = vector.broadcast %lt3A_236 : i32 to vector<16xi32>
      %lt3A_238 = arith.cmpi slt, %get3A_232, %lt3A_237 : vector<16xi32>
      %and3A_239 = arith.andi %ge3A_235, %lt3A_238 : vector<16xi1>
      %lt3A_240 = arith.constant 5000 : i32
      %lt3A_241 = vector.broadcast %lt3A_240 : i32 to vector<16xi32>
      %lt3A_242 = arith.cmpi slt, %add3A_225, %lt3A_241 : vector<16xi32>
      %and3A_243 = arith.andi %and3A_239, %lt3A_242 : vector<16xi1>
      %and3A_244 = arith.constant 127 : i32
      %and3A_245 = vector.broadcast %and3A_244 : i32 to vector<16xi32>
      %and3A_246 = arith.andi %get3A_232, %and3A_245 : vector<16xi32>
      %add3A_247 = arith.constant 10112 : i32
      %add3A_248 = vector.broadcast %add3A_247 : i32 to vector<16xi32>
      %add3A_249 = arith.addi %add3A_248, %and3A_246 : vector<16xi32>
      %select_n3A_250 = arith.select %and3A_243, %get3A_232, %add3A_249 : vector<16xi1>, vector<16xi32>
      %swap3A_251 = arith.constant 0 : i32
      %swap3A_252 = arith.index_cast %scan3A_108 : i32 to index
      %swap3A_253 = arith.index_cast %swap3A_251 : i32 to index
      %swap3A_254 = arith.constant 48 : index
      %swap3A_255 = tpu.vector_load %arg12[%swap3A_252, %swap3A_253, %swap3A_254] {strides = array<i32>} : memref<63x1x80xi32, #tpu.memory_space<vmem>>, vector<1x1x16xi32>,
      %swap3A_256 = vector.shape_cast %swap3A_255 : vector<1x1x16xi32> to vector<16xi32>
      %swap3A_257 = vector.shape_cast %select_n3A_250 : vector<16xi32> to vector<1x1x16xi32>
      tpu.vector_store %arg12[%swap3A_252, %swap3A_253, %swap3A_254], %swap3A_257 {strides = array<i32>} : memref<63x1x80xi32, #tpu.memory_space<vmem>>, vector<1x1x16xi32>,
      %mul3A_258 = arith.constant 80 : i32
      %mul3A_259 = arith.muli %scan3A_108, %mul3A_258 : i32
      %add3A_260 = arith.constant 64 : i32
      %add3A_261 = arith.addi %mul3A_259, %add3A_260 : i32
      %iota3A_262 = tpu.iota {dimensions = array<i32: 0>} : vector<16xi32>
      %add3A_263 = vector.broadcast %add3A_261 : i32 to vector<16xi32>
      %add3A_264 = arith.addi %add3A_263, %iota3A_262 : vector<16xi32>
      %mul3A_265 = arith.constant 80 : i32
      %mul3A_266 = arith.muli %scan3A_108, %mul3A_265 : i32
      %add3A_267 = arith.constant 64 : i32
      %add3A_268 = arith.addi %mul3A_266, %add3A_267 : i32
      %get3A_269 = arith.index_cast %add3A_268 : i32 to index
      %get3A_270 = tpu.vector_load %arg11[%get3A_269] {strides = array<i32>} : memref<5056xi32, #tpu.memory_space<vmem>>, vector<16xi32>,
      %get3A_271 = vector.shape_cast %get3A_270 : vector<16xi32> to vector<16xi32>
      %ge3A_272 = arith.constant 0 : i32
      %ge3A_273 = vector.broadcast %ge3A_272 : i32 to vector<16xi32>
      %ge3A_274 = arith.cmpi sge, %get3A_271, %ge3A_273 : vector<16xi32>
      %lt3A_275 = arith.constant 10000 : i32
      %lt3A_276 = vector.broadcast %lt3A_275 : i32 to vector<16xi32>
      %lt3A_277 = arith.cmpi slt, %get3A_271, %lt3A_276 : vector<16xi32>
      %and3A_278 = arith.andi %ge3A_274, %lt3A_277 : vector<16xi1>
      %lt3A_279 = arith.constant 5000 : i32
      %lt3A_280 = vector.broadcast %lt3A_279 : i32 to vector<16xi32>
      %lt3A_281 = arith.cmpi slt, %add3A_264, %lt3A_280 : vector<16xi32>
      %and3A_282 = arith.andi %and3A_278, %lt3A_281 : vector<16xi1>
      %and3A_283 = arith.constant 127 : i32
      %and3A_284 = vector.broadcast %and3A_283 : i32 to vector<16xi32>
      %and3A_285 = arith.andi %get3A_271, %and3A_284 : vector<16xi32>
      %add3A_286 = arith.constant 10112 : i32
      %add3A_287 = vector.broadcast %add3A_286 : i32 to vector<16xi32>
      %add3A_288 = arith.addi %add3A_287, %and3A_285 : vector<16xi32>
      %select_n3A_289 = arith.select %and3A_282, %get3A_271, %add3A_288 : vector<16xi1>, vector<16xi32>
      %swap3A_290 = arith.constant 0 : i32
      %swap3A_291 = arith.index_cast %scan3A_108 : i32 to index
      %swap3A_292 = arith.index_cast %swap3A_290 : i32 to index
      %swap3A_293 = arith.constant 64 : index
      %swap3A_294 = tpu.vector_load %arg12[%swap3A_291, %swap3A_292, %swap3A_293] {strides = array<i32>} : memref<63x1x80xi32, #tpu.memory_space<vmem>>, vector<1x1x16xi32>,
      %swap3A_295 = vector.shape_cast %swap3A_294 : vector<1x1x16xi32> to vector<16xi32>
      %swap3A_296 = vector.shape_cast %select_n3A_289 : vector<16xi32> to vector<1x1x16xi32>
      tpu.vector_store %arg12[%swap3A_291, %swap3A_292, %swap3A_293], %swap3A_296 {strides = array<i32>} : memref<63x1x80xi32, #tpu.memory_space<vmem>>, vector<1x1x16xi32>,
    }
    %scan3A_7 = arith.constant 63 : i32
    %mul3A_8 = arith.constant 640 : i32
    %mul3A_9 = arith.muli %arg1, %mul3A_8 : i32
    "tpu.region"() ({
      %run_scoped3A_108 = tpu.sem_alloc : memref<!tpu.dma_semaphore, #tpu.memory_space<semaphore_mem>>
      %dma_start3A_109 = arith.constant 0 : i32
      %dma_start3A_110 = tpu.memref_slice %arg13[%mul3A_9, %dma_start3A_109] : memref<10240x128xf32, #tpu.memory_space<vmem_shared>> -> memref<640x128xf32, #tpu.memory_space<vmem_shared>>
      tpu.enqueue_dma source(%arg7 : memref<640x128xf32, #tpu.memory_space<hbm>>) target(%dma_start3A_110 : memref<640x128xf32, #tpu.memory_space<vmem_shared>>) target_semaphore(%run_scoped3A_108 : memref<!tpu.dma_semaphore, #tpu.memory_space<semaphore_mem>>)
      %dma_wait3A_111 = arith.constant 0 : i32
      %dma_wait3A_112 = tpu.memref_slice %arg13[%mul3A_9, %dma_wait3A_111] : memref<10240x128xf32, #tpu.memory_space<vmem_shared>> -> memref<640x128xf32, #tpu.memory_space<vmem_shared>>
      tpu.wait_dma2 semaphore(%run_scoped3A_108 : memref<!tpu.dma_semaphore, #tpu.memory_space<semaphore_mem>>) src(%arg7 : memref<640x128xf32, #tpu.memory_space<hbm>>) dst(%dma_wait3A_112 : memref<640x128xf32, #tpu.memory_space<vmem_shared>>)
      tpu.yield
    }) : () -> ()
    %barrier3A = arith.constant 0 : index
    tpu.barrier barrier_id(%barrier3A)
    %dma_start3A = arith.constant 0 : i32
    %dma_start3A_10 = tpu.memref_slice %arg2[%add3A, %dma_start3A] : memref<160640x128xf32, #tpu.memory_space<hbm>> -> memref<80x128xf32, #tpu.memory_space<hbm>>
    %dma_start3A_11 = arith.constant 0 : i32
    %dma_start3A_12 = tpu.memref_slice %arg2[%add3A, %dma_start3A_11] : memref<160640x128xf32, #tpu.memory_space<hbm>> -> memref<80x128xf32, #tpu.memory_space<hbm>>
    tpu.enqueue_dma source(%dma_start3A_12 : memref<80x128xf32, #tpu.memory_space<hbm>>) target(%arg9 : memref<80x128xf32, #tpu.memory_space<vmem>>) target_semaphore(%arg14 : memref<!tpu.dma_semaphore, #tpu.memory_space<semaphore_mem>>)
    %scan3A_13 = arith.constant 0 : i32
    %scan3A_14 = arith.constant 0 : i32
    %scan3A_15 = arith.constant 31 : i32
    %scan3A_16 = arith.addi %scan3A_14, %scan3A_15 : i32
    %scan3A_17 = arith.constant 1 : i32
    scf.for %scan3A_108 = %scan3A_14 to %scan3A_16 step %scan3A_17  : i32 {
      %mul3A_109 = arith.constant 2 : i32
      %mul3A_110 = arith.muli %mul3A_109, %scan3A_108 : i32
      %add3A_111 = arith.constant 1 : i32
      %add3A_112 = arith.addi %mul3A_110, %add3A_111 : i32
      %mul3A_113 = arith.constant 80 : i32
      %mul3A_114 = arith.muli %add3A_112, %mul3A_113 : i32
      %add3A_115 = arith.addi %add3A, %mul3A_114 : i32
      %dma_start3A_116 = arith.constant 0 : i32
      %dma_start3A_117 = tpu.memref_slice %arg2[%add3A_115, %dma_start3A_116] : memref<160640x128xf32, #tpu.memory_space<hbm>> -> memref<80x128xf32, #tpu.memory_space<hbm>>
      %dma_start3A_118 = arith.constant 0 : i32
      %dma_start3A_119 = tpu.memref_slice %arg2[%add3A_115, %dma_start3A_118] : memref<160640x128xf32, #tpu.memory_space<hbm>> -> memref<80x128xf32, #tpu.memory_space<hbm>>
      tpu.enqueue_dma source(%dma_start3A_119 : memref<80x128xf32, #tpu.memory_space<hbm>>) target(%arg10 : memref<80x128xf32, #tpu.memory_space<vmem>>) target_semaphore(%arg15 : memref<!tpu.dma_semaphore, #tpu.memory_space<semaphore_mem>>)
      %dma_wait3A_120 = arith.constant 0 : i32
      %dma_wait3A_121 = tpu.memref_slice %arg2[%add3A, %dma_wait3A_120] : memref<160640x128xf32, #tpu.memory_space<hbm>> -> memref<80x128xf32, #tpu.memory_space<hbm>>
      %dma_wait3A_122 = arith.constant 0 : i32
      %dma_wait3A_123 = tpu.memref_slice %arg2[%add3A, %dma_wait3A_122] : memref<160640x128xf32, #tpu.memory_space<hbm>> -> memref<80x128xf32, #tpu.memory_space<hbm>>
      tpu.wait_dma2 semaphore(%arg14 : memref<!tpu.dma_semaphore, #tpu.memory_space<semaphore_mem>>) src(%dma_wait3A_123 : memref<80x128xf32, #tpu.memory_space<hbm>>) dst(%arg9 : memref<80x128xf32, #tpu.memory_space<vmem>>)
      %sub3A = arith.constant 1 : i32
      %sub3A_124 = arith.subi %add3A_112, %sub3A : i32
      %run_scoped3A_125 = arith.constant 0 : i32
      "tpu.region"() ({
        %run_scoped3A_142 = tpu.sem_alloc : memref<!tpu.dma_semaphore, #tpu.memory_space<semaphore_mem>>
        %dma_start3A_143 = arith.constant 0 : i32
        %dma_start3A_144 = tpu.memref_slice %arg12[%sub3A_124, %run_scoped3A_125, %dma_start3A_143] : memref<63x1x80xi32, #tpu.memory_space<vmem>> -> memref<1x1x80xi32, #tpu.memory_space<vmem>>
        %dma_start3A_145 = tpu.memref_squeeze %dma_start3A_144 : memref<1x1x80xi32, #tpu.memory_space<vmem>> -> memref<80xi32, #tpu.memory_space<vmem>>
        %dma_start3A_146 = arith.constant 0 : i32
        %dma_start3A_147 = arith.constant 0 : i32
        %dma_start3A_148 = tpu.memref_slice %arg13[%dma_start3A_146, %dma_start3A_147] : memref<10240x128xf32, #tpu.memory_space<vmem_shared>> -> memref<10240x128xf32, #tpu.memory_space<vmem_shared>>
        tpu.enqueue_indirect_dma source(%arg9 : memref<80x128xf32, #tpu.memory_space<vmem>>) target(%dma_start3A_148 : memref<10240x128xf32, #tpu.memory_space<vmem_shared>>) offsets(%dma_start3A_145 : memref<80xi32, #tpu.memory_space<vmem>>) semaphore(%run_scoped3A_142 : memref<!tpu.dma_semaphore, #tpu.memory_space<semaphore_mem>>) {add = true}
        %dma_wait3A_149 = arith.constant 0 : i32
        %dma_wait3A_150 = tpu.memref_slice %arg12[%sub3A_124, %run_scoped3A_125, %dma_wait3A_149] : memref<63x1x80xi32, #tpu.memory_space<vmem>> -> memref<1x1x80xi32, #tpu.memory_space<vmem>>
        %dma_wait3A_151 = tpu.memref_squeeze %dma_wait3A_150 : memref<1x1x80xi32, #tpu.memory_space<vmem>> -> memref<80xi32, #tpu.memory_space<vmem>>
        %dma_wait3A_152 = arith.constant 0 : i32
        %dma_wait3A_153 = arith.constant 0 : i32
        %dma_wait3A_154 = tpu.memref_slice %arg13[%dma_wait3A_152, %dma_wait3A_153] : memref<10240x128xf32, #tpu.memory_space<vmem_shared>> -> memref<10240x128xf32, #tpu.memory_space<vmem_shared>>
        tpu.wait_indirect_dma semaphore(%run_scoped3A_142 : memref<!tpu.dma_semaphore, #tpu.memory_space<semaphore_mem>>) src(%arg9 : memref<80x128xf32, #tpu.memory_space<vmem>>) dst(%dma_wait3A_154 : memref<10240x128xf32, #tpu.memory_space<vmem_shared>>)
        tpu.yield
      }) : () -> ()
      %mul3A_126 = arith.constant 2 : i32
      %mul3A_127 = arith.muli %mul3A_126, %scan3A_108 : i32
      %add3A_128 = arith.constant 2 : i32
      %add3A_129 = arith.addi %mul3A_127, %add3A_128 : i32
      %mul3A_130 = arith.constant 80 : i32
      %mul3A_131 = arith.muli %add3A_129, %mul3A_130 : i32
      %add3A_132 = arith.addi %add3A, %mul3A_131 : i32
      %dma_start3A_133 = arith.constant 0 : i32
      %dma_start3A_134 = tpu.memref_slice %arg2[%add3A_132, %dma_start3A_133] : memref<160640x128xf32, #tpu.memory_space<hbm>> -> memref<80x128xf32, #tpu.memory_space<hbm>>
      %dma_start3A_135 = arith.constant 0 : i32
      %dma_start3A_136 = tpu.memref_slice %arg2[%add3A_132, %dma_start3A_135] : memref<160640x128xf32, #tpu.memory_space<hbm>> -> memref<80x128xf32, #tpu.memory_space<hbm>>
      tpu.enqueue_dma source(%dma_start3A_136 : memref<80x128xf32, #tpu.memory_space<hbm>>) target(%arg9 : memref<80x128xf32, #tpu.memory_space<vmem>>) target_semaphore(%arg14 : memref<!tpu.dma_semaphore, #tpu.memory_space<semaphore_mem>>)
      %dma_wait3A_137 = arith.constant 0 : i32
      %dma_wait3A_138 = tpu.memref_slice %arg2[%add3A, %dma_wait3A_137] : memref<160640x128xf32, #tpu.memory_space<hbm>> -> memref<80x128xf32, #tpu.memory_space<hbm>>
      %dma_wait3A_139 = arith.constant 0 : i32
      %dma_wait3A_140 = tpu.memref_slice %arg2[%add3A, %dma_wait3A_139] : memref<160640x128xf32, #tpu.memory_space<hbm>> -> memref<80x128xf32, #tpu.memory_space<hbm>>
      tpu.wait_dma2 semaphore(%arg15 : memref<!tpu.dma_semaphore, #tpu.memory_space<semaphore_mem>>) src(%dma_wait3A_140 : memref<80x128xf32, #tpu.memory_space<hbm>>) dst(%arg10 : memref<80x128xf32, #tpu.memory_space<vmem>>)
      %run_scoped3A_141 = arith.constant 0 : i32
      "tpu.region"() ({
        %run_scoped3A_142 = tpu.sem_alloc : memref<!tpu.dma_semaphore, #tpu.memory_space<semaphore_mem>>
        %dma_start3A_143 = arith.constant 0 : i32
        %dma_start3A_144 = tpu.memref_slice %arg12[%add3A_112, %run_scoped3A_141, %dma_start3A_143] : memref<63x1x80xi32, #tpu.memory_space<vmem>> -> memref<1x1x80xi32, #tpu.memory_space<vmem>>
        %dma_start3A_145 = tpu.memref_squeeze %dma_start3A_144 : memref<1x1x80xi32, #tpu.memory_space<vmem>> -> memref<80xi32, #tpu.memory_space<vmem>>
        %dma_start3A_146 = arith.constant 0 : i32
        %dma_start3A_147 = arith.constant 0 : i32
        %dma_start3A_148 = tpu.memref_slice %arg13[%dma_start3A_146, %dma_start3A_147] : memref<10240x128xf32, #tpu.memory_space<vmem_shared>> -> memref<10240x128xf32, #tpu.memory_space<vmem_shared>>
        tpu.enqueue_indirect_dma source(%arg10 : memref<80x128xf32, #tpu.memory_space<vmem>>) target(%dma_start3A_148 : memref<10240x128xf32, #tpu.memory_space<vmem_shared>>) offsets(%dma_start3A_145 : memref<80xi32, #tpu.memory_space<vmem>>) semaphore(%run_scoped3A_142 : memref<!tpu.dma_semaphore, #tpu.memory_space<semaphore_mem>>) {add = true}
        %dma_wait3A_149 = arith.constant 0 : i32
        %dma_wait3A_150 = tpu.memref_slice %arg12[%add3A_112, %run_scoped3A_141, %dma_wait3A_149] : memref<63x1x80xi32, #tpu.memory_space<vmem>> -> memref<1x1x80xi32, #tpu.memory_space<vmem>>
        %dma_wait3A_151 = tpu.memref_squeeze %dma_wait3A_150 : memref<1x1x80xi32, #tpu.memory_space<vmem>> -> memref<80xi32, #tpu.memory_space<vmem>>
        %dma_wait3A_152 = arith.constant 0 : i32
        %dma_wait3A_153 = arith.constant 0 : i32
        %dma_wait3A_154 = tpu.memref_slice %arg13[%dma_wait3A_152, %dma_wait3A_153] : memref<10240x128xf32, #tpu.memory_space<vmem_shared>> -> memref<10240x128xf32, #tpu.memory_space<vmem_shared>>
        tpu.wait_indirect_dma semaphore(%run_scoped3A_142 : memref<!tpu.dma_semaphore, #tpu.memory_space<semaphore_mem>>) src(%arg10 : memref<80x128xf32, #tpu.memory_space<vmem>>) dst(%dma_wait3A_154 : memref<10240x128xf32, #tpu.memory_space<vmem_shared>>)
        tpu.yield
      }) : () -> ()
    }
    %scan3A_18 = arith.constant 31 : i32
    %dma_wait3A = arith.constant 0 : i32
    %dma_wait3A_19 = tpu.memref_slice %arg2[%add3A, %dma_wait3A] : memref<160640x128xf32, #tpu.memory_space<hbm>> -> memref<80x128xf32, #tpu.memory_space<hbm>>
    %dma_wait3A_20 = arith.constant 0 : i32
    %dma_wait3A_21 = tpu.memref_slice %arg2[%add3A, %dma_wait3A_20] : memref<160640x128xf32, #tpu.memory_space<hbm>> -> memref<80x128xf32, #tpu.memory_space<hbm>>
    tpu.wait_dma2 semaphore(%arg14 : memref<!tpu.dma_semaphore, #tpu.memory_space<semaphore_mem>>) src(%dma_wait3A_21 : memref<80x128xf32, #tpu.memory_space<hbm>>) dst(%arg9 : memref<80x128xf32, #tpu.memory_space<vmem>>)
    %run_scoped3A = arith.constant 62 : i32
    %run_scoped3A_22 = arith.constant 0 : i32
    "tpu.region"() ({
      %run_scoped3A_108 = tpu.sem_alloc : memref<!tpu.dma_semaphore, #tpu.memory_space<semaphore_mem>>
      %dma_start3A_109 = arith.constant 0 : i32
      %dma_start3A_110 = tpu.memref_slice %arg12[%run_scoped3A, %run_scoped3A_22, %dma_start3A_109] : memref<63x1x80xi32, #tpu.memory_space<vmem>> -> memref<1x1x80xi32, #tpu.memory_space<vmem>>
      %dma_start3A_111 = tpu.memref_squeeze %dma_start3A_110 : memref<1x1x80xi32, #tpu.memory_space<vmem>> -> memref<80xi32, #tpu.memory_space<vmem>>
      %dma_start3A_112 = arith.constant 0 : i32
      %dma_start3A_113 = arith.constant 0 : i32
      %dma_start3A_114 = tpu.memref_slice %arg13[%dma_start3A_112, %dma_start3A_113] : memref<10240x128xf32, #tpu.memory_space<vmem_shared>> -> memref<10240x128xf32, #tpu.memory_space<vmem_shared>>
      tpu.enqueue_indirect_dma source(%arg9 : memref<80x128xf32, #tpu.memory_space<vmem>>) target(%dma_start3A_114 : memref<10240x128xf32, #tpu.memory_space<vmem_shared>>) offsets(%dma_start3A_111 : memref<80xi32, #tpu.memory_space<vmem>>) semaphore(%run_scoped3A_108 : memref<!tpu.dma_semaphore, #tpu.memory_space<semaphore_mem>>) {add = true}
      %dma_wait3A_115 = arith.constant 0 : i32
      %dma_wait3A_116 = tpu.memref_slice %arg12[%run_scoped3A, %run_scoped3A_22, %dma_wait3A_115] : memref<63x1x80xi32, #tpu.memory_space<vmem>> -> memref<1x1x80xi32, #tpu.memory_space<vmem>>
      %dma_wait3A_117 = tpu.memref_squeeze %dma_wait3A_116 : memref<1x1x80xi32, #tpu.memory_space<vmem>> -> memref<80xi32, #tpu.memory_space<vmem>>
      %dma_wait3A_118 = arith.constant 0 : i32
      %dma_wait3A_119 = arith.constant 0 : i32
      %dma_wait3A_120 = tpu.memref_slice %arg13[%dma_wait3A_118, %dma_wait3A_119] : memref<10240x128xf32, #tpu.memory_space<vmem_shared>> -> memref<10240x128xf32, #tpu.memory_space<vmem_shared>>
      tpu.wait_indirect_dma semaphore(%run_scoped3A_108 : memref<!tpu.dma_semaphore, #tpu.memory_space<semaphore_mem>>) src(%arg9 : memref<80x128xf32, #tpu.memory_space<vmem>>) dst(%dma_wait3A_120 : memref<10240x128xf32, #tpu.memory_space<vmem_shared>>)
      tpu.yield
    }) : () -> ()
    %barrier3A_23 = arith.constant 0 : index
    tpu.barrier barrier_id(%barrier3A_23)
    %mul3A_24 = arith.constant 632 : i32
    %mul3A_25 = arith.muli %arg1, %mul3A_24 : i32
    %mul3A_26 = arith.constant 632 : i32
    %mul3A_27 = arith.muli %arg1, %mul3A_26 : i32
    %run_scoped3A_28 = arith.constant 0 : i32
    "tpu.region"() ({
      %run_scoped3A_108 = tpu.sem_alloc : memref<!tpu.dma_semaphore, #tpu.memory_space<semaphore_mem>>
      %dma_start3A_109 = arith.constant 0 : i32
      %dma_start3A_110 = tpu.memref_slice %arg8[%arg0, %run_scoped3A_28, %mul3A_27, %dma_start3A_109] : memref<2x4x10112x128xf32, #tpu.memory_space<hbm>> -> memref<1x1x632x128xf32, #tpu.memory_space<hbm>>
      %dma_start3A_111 = tpu.memref_squeeze %dma_start3A_110 : memref<1x1x632x128xf32, #tpu.memory_space<hbm>> -> memref<632x128xf32, #tpu.memory_space<hbm>>
      %dma_start3A_112 = arith.constant 0 : i32
      %dma_start3A_113 = tpu.memref_slice %arg13[%mul3A_25, %dma_start3A_112] : memref<10240x128xf32, #tpu.memory_space<vmem_shared>> -> memref<632x128xf32, #tpu.memory_space<vmem_shared>>
      tpu.enqueue_dma source(%dma_start3A_113 : memref<632x128xf32, #tpu.memory_space<vmem_shared>>) target(%dma_start3A_111 : memref<632x128xf32, #tpu.memory_space<hbm>>) target_semaphore(%run_scoped3A_108 : memref<!tpu.dma_semaphore, #tpu.memory_space<semaphore_mem>>)
      %dma_wait3A_114 = arith.constant 0 : i32
      %dma_wait3A_115 = tpu.memref_slice %arg8[%arg0, %run_scoped3A_28, %mul3A_27, %dma_wait3A_114] : memref<2x4x10112x128xf32, #tpu.memory_space<hbm>> -> memref<1x1x632x128xf32, #tpu.memory_space<hbm>>
      %dma_wait3A_116 = tpu.memref_squeeze %dma_wait3A_115 : memref<1x1x632x128xf32, #tpu.memory_space<hbm>> -> memref<632x128xf32, #tpu.memory_space<hbm>>
      %dma_wait3A_117 = arith.constant 0 : i32
      %dma_wait3A_118 = tpu.memref_slice %arg13[%mul3A_25, %dma_wait3A_117] : memref<10240x128xf32, #tpu.memory_space<vmem_shared>> -> memref<632x128xf32, #tpu.memory_space<vmem_shared>>
      tpu.wait_dma2 semaphore(%run_scoped3A_108 : memref<!tpu.dma_semaphore, #tpu.memory_space<semaphore_mem>>) src(%dma_wait3A_118 : memref<632x128xf32, #tpu.memory_space<vmem_shared>>) dst(%dma_wait3A_116 : memref<632x128xf32, #tpu.memory_space<hbm>>)
      tpu.yield
    }) : () -> ()
    %barrier3A_29 = arith.constant 0 : index
    tpu.barrier barrier_id(%barrier3A_29)
    %mul3A_30 = arith.constant 640 : i32
    %mul3A_31 = arith.muli %arg1, %mul3A_30 : i32
    "tpu.region"() ({
      %run_scoped3A_108 = tpu.sem_alloc : memref<!tpu.dma_semaphore, #tpu.memory_space<semaphore_mem>>
      %dma_start3A_109 = arith.constant 0 : i32
      %dma_start3A_110 = tpu.memref_slice %arg13[%mul3A_31, %dma_start3A_109] : memref<10240x128xf32, #tpu.memory_space<vmem_shared>> -> memref<640x128xf32, #tpu.memory_space<vmem_shared>>
      tpu.enqueue_dma source(%arg7 : memref<640x128xf32, #tpu.memory_space<hbm>>) target(%dma_start3A_110 : memref<640x128xf32, #tpu.memory_space<vmem_shared>>) target_semaphore(%run_scoped3A_108 : memref<!tpu.dma_semaphore, #tpu.memory_space<semaphore_mem>>)
      %dma_wait3A_111 = arith.constant 0 : i32
      %dma_wait3A_112 = tpu.memref_slice %arg13[%mul3A_31, %dma_wait3A_111] : memref<10240x128xf32, #tpu.memory_space<vmem_shared>> -> memref<640x128xf32, #tpu.memory_space<vmem_shared>>
      tpu.wait_dma2 semaphore(%run_scoped3A_108 : memref<!tpu.dma_semaphore, #tpu.memory_space<semaphore_mem>>) src(%arg7 : memref<640x128xf32, #tpu.memory_space<hbm>>) dst(%dma_wait3A_112 : memref<640x128xf32, #tpu.memory_space<vmem_shared>>)
      tpu.yield
    }) : () -> ()
    %barrier3A_32 = arith.constant 0 : index
    tpu.barrier barrier_id(%barrier3A_32)
    %dma_start3A_33 = arith.constant 0 : i32
    %dma_start3A_34 = tpu.memref_slice %arg3[%add3A, %dma_start3A_33] : memref<160640x128xf32, #tpu.memory_space<hbm>> -> memref<80x128xf32, #tpu.memory_space<hbm>>
    %dma_start3A_35 = arith.constant 0 : i32
    %dma_start3A_36 = tpu.memref_slice %arg3[%add3A, %dma_start3A_35] : memref<160640x128xf32, #tpu.memory_space<hbm>> -> memref<80x128xf32, #tpu.memory_space<hbm>>
    tpu.enqueue_dma source(%dma_start3A_36 : memref<80x128xf32, #tpu.memory_space<hbm>>) target(%arg9 : memref<80x128xf32, #tpu.memory_space<vmem>>) target_semaphore(%arg14 : memref<!tpu.dma_semaphore, #tpu.memory_space<semaphore_mem>>)
    %scan3A_37 = arith.constant 0 : i32
    %scan3A_38 = arith.constant 0 : i32
    %scan3A_39 = arith.constant 31 : i32
    %scan3A_40 = arith.addi %scan3A_38, %scan3A_39 : i32
    %scan3A_41 = arith.constant 1 : i32
    scf.for %scan3A_108 = %scan3A_38 to %scan3A_40 step %scan3A_41  : i32 {
      %mul3A_109 = arith.constant 2 : i32
      %mul3A_110 = arith.muli %mul3A_109, %scan3A_108 : i32
      %add3A_111 = arith.constant 1 : i32
      %add3A_112 = arith.addi %mul3A_110, %add3A_111 : i32
      %mul3A_113 = arith.constant 80 : i32
      %mul3A_114 = arith.muli %add3A_112, %mul3A_113 : i32
      %add3A_115 = arith.addi %add3A, %mul3A_114 : i32
      %dma_start3A_116 = arith.constant 0 : i32
      %dma_start3A_117 = tpu.memref_slice %arg3[%add3A_115, %dma_start3A_116] : memref<160640x128xf32, #tpu.memory_space<hbm>> -> memref<80x128xf32, #tpu.memory_space<hbm>>
      %dma_start3A_118 = arith.constant 0 : i32
      %dma_start3A_119 = tpu.memref_slice %arg3[%add3A_115, %dma_start3A_118] : memref<160640x128xf32, #tpu.memory_space<hbm>> -> memref<80x128xf32, #tpu.memory_space<hbm>>
      tpu.enqueue_dma source(%dma_start3A_119 : memref<80x128xf32, #tpu.memory_space<hbm>>) target(%arg10 : memref<80x128xf32, #tpu.memory_space<vmem>>) target_semaphore(%arg15 : memref<!tpu.dma_semaphore, #tpu.memory_space<semaphore_mem>>)
      %dma_wait3A_120 = arith.constant 0 : i32
      %dma_wait3A_121 = tpu.memref_slice %arg3[%add3A, %dma_wait3A_120] : memref<160640x128xf32, #tpu.memory_space<hbm>> -> memref<80x128xf32, #tpu.memory_space<hbm>>
      %dma_wait3A_122 = arith.constant 0 : i32
      %dma_wait3A_123 = tpu.memref_slice %arg3[%add3A, %dma_wait3A_122] : memref<160640x128xf32, #tpu.memory_space<hbm>> -> memref<80x128xf32, #tpu.memory_space<hbm>>
      tpu.wait_dma2 semaphore(%arg14 : memref<!tpu.dma_semaphore, #tpu.memory_space<semaphore_mem>>) src(%dma_wait3A_123 : memref<80x128xf32, #tpu.memory_space<hbm>>) dst(%arg9 : memref<80x128xf32, #tpu.memory_space<vmem>>)
      %sub3A = arith.constant 1 : i32
      %sub3A_124 = arith.subi %add3A_112, %sub3A : i32
      %run_scoped3A_125 = arith.constant 0 : i32
      "tpu.region"() ({
        %run_scoped3A_142 = tpu.sem_alloc : memref<!tpu.dma_semaphore, #tpu.memory_space<semaphore_mem>>
        %dma_start3A_143 = arith.constant 0 : i32
        %dma_start3A_144 = tpu.memref_slice %arg12[%sub3A_124, %run_scoped3A_125, %dma_start3A_143] : memref<63x1x80xi32, #tpu.memory_space<vmem>> -> memref<1x1x80xi32, #tpu.memory_space<vmem>>
        %dma_start3A_145 = tpu.memref_squeeze %dma_start3A_144 : memref<1x1x80xi32, #tpu.memory_space<vmem>> -> memref<80xi32, #tpu.memory_space<vmem>>
        %dma_start3A_146 = arith.constant 0 : i32
        %dma_start3A_147 = arith.constant 0 : i32
        %dma_start3A_148 = tpu.memref_slice %arg13[%dma_start3A_146, %dma_start3A_147] : memref<10240x128xf32, #tpu.memory_space<vmem_shared>> -> memref<10240x128xf32, #tpu.memory_space<vmem_shared>>
        tpu.enqueue_indirect_dma source(%arg9 : memref<80x128xf32, #tpu.memory_space<vmem>>) target(%dma_start3A_148 : memref<10240x128xf32, #tpu.memory_space<vmem_shared>>) offsets(%dma_start3A_145 : memref<80xi32, #tpu.memory_space<vmem>>) semaphore(%run_scoped3A_142 : memref<!tpu.dma_semaphore, #tpu.memory_space<semaphore_mem>>) {add = true}
        %dma_wait3A_149 = arith.constant 0 : i32
        %dma_wait3A_150 = tpu.memref_slice %arg12[%sub3A_124, %run_scoped3A_125, %dma_wait3A_149] : memref<63x1x80xi32, #tpu.memory_space<vmem>> -> memref<1x1x80xi32, #tpu.memory_space<vmem>>
        %dma_wait3A_151 = tpu.memref_squeeze %dma_wait3A_150 : memref<1x1x80xi32, #tpu.memory_space<vmem>> -> memref<80xi32, #tpu.memory_space<vmem>>
        %dma_wait3A_152 = arith.constant 0 : i32
        %dma_wait3A_153 = arith.constant 0 : i32
        %dma_wait3A_154 = tpu.memref_slice %arg13[%dma_wait3A_152, %dma_wait3A_153] : memref<10240x128xf32, #tpu.memory_space<vmem_shared>> -> memref<10240x128xf32, #tpu.memory_space<vmem_shared>>
        tpu.wait_indirect_dma semaphore(%run_scoped3A_142 : memref<!tpu.dma_semaphore, #tpu.memory_space<semaphore_mem>>) src(%arg9 : memref<80x128xf32, #tpu.memory_space<vmem>>) dst(%dma_wait3A_154 : memref<10240x128xf32, #tpu.memory_space<vmem_shared>>)
        tpu.yield
      }) : () -> ()
      %mul3A_126 = arith.constant 2 : i32
      %mul3A_127 = arith.muli %mul3A_126, %scan3A_108 : i32
      %add3A_128 = arith.constant 2 : i32
      %add3A_129 = arith.addi %mul3A_127, %add3A_128 : i32
      %mul3A_130 = arith.constant 80 : i32
      %mul3A_131 = arith.muli %add3A_129, %mul3A_130 : i32
      %add3A_132 = arith.addi %add3A, %mul3A_131 : i32
      %dma_start3A_133 = arith.constant 0 : i32
      %dma_start3A_134 = tpu.memref_slice %arg3[%add3A_132, %dma_start3A_133] : memref<160640x128xf32, #tpu.memory_space<hbm>> -> memref<80x128xf32, #tpu.memory_space<hbm>>
      %dma_start3A_135 = arith.constant 0 : i32
      %dma_start3A_136 = tpu.memref_slice %arg3[%add3A_132, %dma_start3A_135] : memref<160640x128xf32, #tpu.memory_space<hbm>> -> memref<80x128xf32, #tpu.memory_space<hbm>>
      tpu.enqueue_dma source(%dma_start3A_136 : memref<80x128xf32, #tpu.memory_space<hbm>>) target(%arg9 : memref<80x128xf32, #tpu.memory_space<vmem>>) target_semaphore(%arg14 : memref<!tpu.dma_semaphore, #tpu.memory_space<semaphore_mem>>)
      %dma_wait3A_137 = arith.constant 0 : i32
      %dma_wait3A_138 = tpu.memref_slice %arg3[%add3A, %dma_wait3A_137] : memref<160640x128xf32, #tpu.memory_space<hbm>> -> memref<80x128xf32, #tpu.memory_space<hbm>>
      %dma_wait3A_139 = arith.constant 0 : i32
      %dma_wait3A_140 = tpu.memref_slice %arg3[%add3A, %dma_wait3A_139] : memref<160640x128xf32, #tpu.memory_space<hbm>> -> memref<80x128xf32, #tpu.memory_space<hbm>>
      tpu.wait_dma2 semaphore(%arg15 : memref<!tpu.dma_semaphore, #tpu.memory_space<semaphore_mem>>) src(%dma_wait3A_140 : memref<80x128xf32, #tpu.memory_space<hbm>>) dst(%arg10 : memref<80x128xf32, #tpu.memory_space<vmem>>)
      %run_scoped3A_141 = arith.constant 0 : i32
      "tpu.region"() ({
        %run_scoped3A_142 = tpu.sem_alloc : memref<!tpu.dma_semaphore, #tpu.memory_space<semaphore_mem>>
        %dma_start3A_143 = arith.constant 0 : i32
        %dma_start3A_144 = tpu.memref_slice %arg12[%add3A_112, %run_scoped3A_141, %dma_start3A_143] : memref<63x1x80xi32, #tpu.memory_space<vmem>> -> memref<1x1x80xi32, #tpu.memory_space<vmem>>
        %dma_start3A_145 = tpu.memref_squeeze %dma_start3A_144 : memref<1x1x80xi32, #tpu.memory_space<vmem>> -> memref<80xi32, #tpu.memory_space<vmem>>
        %dma_start3A_146 = arith.constant 0 : i32
        %dma_start3A_147 = arith.constant 0 : i32
        %dma_start3A_148 = tpu.memref_slice %arg13[%dma_start3A_146, %dma_start3A_147] : memref<10240x128xf32, #tpu.memory_space<vmem_shared>> -> memref<10240x128xf32, #tpu.memory_space<vmem_shared>>
        tpu.enqueue_indirect_dma source(%arg10 : memref<80x128xf32, #tpu.memory_space<vmem>>) target(%dma_start3A_148 : memref<10240x128xf32, #tpu.memory_space<vmem_shared>>) offsets(%dma_start3A_145 : memref<80xi32, #tpu.memory_space<vmem>>) semaphore(%run_scoped3A_142 : memref<!tpu.dma_semaphore, #tpu.memory_space<semaphore_mem>>) {add = true}
        %dma_wait3A_149 = arith.constant 0 : i32
        %dma_wait3A_150 = tpu.memref_slice %arg12[%add3A_112, %run_scoped3A_141, %dma_wait3A_149] : memref<63x1x80xi32, #tpu.memory_space<vmem>> -> memref<1x1x80xi32, #tpu.memory_space<vmem>>
        %dma_wait3A_151 = tpu.memref_squeeze %dma_wait3A_150 : memref<1x1x80xi32, #tpu.memory_space<vmem>> -> memref<80xi32, #tpu.memory_space<vmem>>
        %dma_wait3A_152 = arith.constant 0 : i32
        %dma_wait3A_153 = arith.constant 0 : i32
        %dma_wait3A_154 = tpu.memref_slice %arg13[%dma_wait3A_152, %dma_wait3A_153] : memref<10240x128xf32, #tpu.memory_space<vmem_shared>> -> memref<10240x128xf32, #tpu.memory_space<vmem_shared>>
        tpu.wait_indirect_dma semaphore(%run_scoped3A_142 : memref<!tpu.dma_semaphore, #tpu.memory_space<semaphore_mem>>) src(%arg10 : memref<80x128xf32, #tpu.memory_space<vmem>>) dst(%dma_wait3A_154 : memref<10240x128xf32, #tpu.memory_space<vmem_shared>>)
        tpu.yield
      }) : () -> ()
    }
    %scan3A_42 = arith.constant 31 : i32
    %dma_wait3A_43 = arith.constant 0 : i32
    %dma_wait3A_44 = tpu.memref_slice %arg3[%add3A, %dma_wait3A_43] : memref<160640x128xf32, #tpu.memory_space<hbm>> -> memref<80x128xf32, #tpu.memory_space<hbm>>
    %dma_wait3A_45 = arith.constant 0 : i32
    %dma_wait3A_46 = tpu.memref_slice %arg3[%add3A, %dma_wait3A_45] : memref<160640x128xf32, #tpu.memory_space<hbm>> -> memref<80x128xf32, #tpu.memory_space<hbm>>
    tpu.wait_dma2 semaphore(%arg14 : memref<!tpu.dma_semaphore, #tpu.memory_space<semaphore_mem>>) src(%dma_wait3A_46 : memref<80x128xf32, #tpu.memory_space<hbm>>) dst(%arg9 : memref<80x128xf32, #tpu.memory_space<vmem>>)
    %run_scoped3A_47 = arith.constant 62 : i32
    %run_scoped3A_48 = arith.constant 0 : i32
    "tpu.region"() ({
      %run_scoped3A_108 = tpu.sem_alloc : memref<!tpu.dma_semaphore, #tpu.memory_space<semaphore_mem>>
      %dma_start3A_109 = arith.constant 0 : i32
      %dma_start3A_110 = tpu.memref_slice %arg12[%run_scoped3A_47, %run_scoped3A_48, %dma_start3A_109] : memref<63x1x80xi32, #tpu.memory_space<vmem>> -> memref<1x1x80xi32, #tpu.memory_space<vmem>>
      %dma_start3A_111 = tpu.memref_squeeze %dma_start3A_110 : memref<1x1x80xi32, #tpu.memory_space<vmem>> -> memref<80xi32, #tpu.memory_space<vmem>>
      %dma_start3A_112 = arith.constant 0 : i32
      %dma_start3A_113 = arith.constant 0 : i32
      %dma_start3A_114 = tpu.memref_slice %arg13[%dma_start3A_112, %dma_start3A_113] : memref<10240x128xf32, #tpu.memory_space<vmem_shared>> -> memref<10240x128xf32, #tpu.memory_space<vmem_shared>>
      tpu.enqueue_indirect_dma source(%arg9 : memref<80x128xf32, #tpu.memory_space<vmem>>) target(%dma_start3A_114 : memref<10240x128xf32, #tpu.memory_space<vmem_shared>>) offsets(%dma_start3A_111 : memref<80xi32, #tpu.memory_space<vmem>>) semaphore(%run_scoped3A_108 : memref<!tpu.dma_semaphore, #tpu.memory_space<semaphore_mem>>) {add = true}
      %dma_wait3A_115 = arith.constant 0 : i32
      %dma_wait3A_116 = tpu.memref_slice %arg12[%run_scoped3A_47, %run_scoped3A_48, %dma_wait3A_115] : memref<63x1x80xi32, #tpu.memory_space<vmem>> -> memref<1x1x80xi32, #tpu.memory_space<vmem>>
      %dma_wait3A_117 = tpu.memref_squeeze %dma_wait3A_116 : memref<1x1x80xi32, #tpu.memory_space<vmem>> -> memref<80xi32, #tpu.memory_space<vmem>>
      %dma_wait3A_118 = arith.constant 0 : i32
      %dma_wait3A_119 = arith.constant 0 : i32
      %dma_wait3A_120 = tpu.memref_slice %arg13[%dma_wait3A_118, %dma_wait3A_119] : memref<10240x128xf32, #tpu.memory_space<vmem_shared>> -> memref<10240x128xf32, #tpu.memory_space<vmem_shared>>
      tpu.wait_indirect_dma semaphore(%run_scoped3A_108 : memref<!tpu.dma_semaphore, #tpu.memory_space<semaphore_mem>>) src(%arg9 : memref<80x128xf32, #tpu.memory_space<vmem>>) dst(%dma_wait3A_120 : memref<10240x128xf32, #tpu.memory_space<vmem_shared>>)
      tpu.yield
    }) : () -> ()
    %barrier3A_49 = arith.constant 0 : index
    tpu.barrier barrier_id(%barrier3A_49)
    %mul3A_50 = arith.constant 632 : i32
    %mul3A_51 = arith.muli %arg1, %mul3A_50 : i32
    %mul3A_52 = arith.constant 632 : i32
    %mul3A_53 = arith.muli %arg1, %mul3A_52 : i32
    %run_scoped3A_54 = arith.constant 1 : i32
    "tpu.region"() ({
      %run_scoped3A_108 = tpu.sem_alloc : memref<!tpu.dma_semaphore, #tpu.memory_space<semaphore_mem>>
      %dma_start3A_109 = arith.constant 0 : i32
      %dma_start3A_110 = tpu.memref_slice %arg8[%arg0, %run_scoped3A_54, %mul3A_53, %dma_start3A_109] : memref<2x4x10112x128xf32, #tpu.memory_space<hbm>> -> memref<1x1x632x128xf32, #tpu.memory_space<hbm>>
      %dma_start3A_111 = tpu.memref_squeeze %dma_start3A_110 : memref<1x1x632x128xf32, #tpu.memory_space<hbm>> -> memref<632x128xf32, #tpu.memory_space<hbm>>
      %dma_start3A_112 = arith.constant 0 : i32
      %dma_start3A_113 = tpu.memref_slice %arg13[%mul3A_51, %dma_start3A_112] : memref<10240x128xf32, #tpu.memory_space<vmem_shared>> -> memref<632x128xf32, #tpu.memory_space<vmem_shared>>
      tpu.enqueue_dma source(%dma_start3A_113 : memref<632x128xf32, #tpu.memory_space<vmem_shared>>) target(%dma_start3A_111 : memref<632x128xf32, #tpu.memory_space<hbm>>) target_semaphore(%run_scoped3A_108 : memref<!tpu.dma_semaphore, #tpu.memory_space<semaphore_mem>>)
      %dma_wait3A_114 = arith.constant 0 : i32
      %dma_wait3A_115 = tpu.memref_slice %arg8[%arg0, %run_scoped3A_54, %mul3A_53, %dma_wait3A_114] : memref<2x4x10112x128xf32, #tpu.memory_space<hbm>> -> memref<1x1x632x128xf32, #tpu.memory_space<hbm>>
      %dma_wait3A_116 = tpu.memref_squeeze %dma_wait3A_115 : memref<1x1x632x128xf32, #tpu.memory_space<hbm>> -> memref<632x128xf32, #tpu.memory_space<hbm>>
      %dma_wait3A_117 = arith.constant 0 : i32
      %dma_wait3A_118 = tpu.memref_slice %arg13[%mul3A_51, %dma_wait3A_117] : memref<10240x128xf32, #tpu.memory_space<vmem_shared>> -> memref<632x128xf32, #tpu.memory_space<vmem_shared>>
      tpu.wait_dma2 semaphore(%run_scoped3A_108 : memref<!tpu.dma_semaphore, #tpu.memory_space<semaphore_mem>>) src(%dma_wait3A_118 : memref<632x128xf32, #tpu.memory_space<vmem_shared>>) dst(%dma_wait3A_116 : memref<632x128xf32, #tpu.memory_space<hbm>>)
      tpu.yield
    }) : () -> ()
    %barrier3A_55 = arith.constant 0 : index
    tpu.barrier barrier_id(%barrier3A_55)
    %mul3A_56 = arith.constant 640 : i32
    %mul3A_57 = arith.muli %arg1, %mul3A_56 : i32
    "tpu.region"() ({
      %run_scoped3A_108 = tpu.sem_alloc : memref<!tpu.dma_semaphore, #tpu.memory_space<semaphore_mem>>
      %dma_start3A_109 = arith.constant 0 : i32
      %dma_start3A_110 = tpu.memref_slice %arg13[%mul3A_57, %dma_start3A_109] : memref<10240x128xf32, #tpu.memory_space<vmem_shared>> -> memref<640x128xf32, #tpu.memory_space<vmem_shared>>
      tpu.enqueue_dma source(%arg7 : memref<640x128xf32, #tpu.memory_space<hbm>>) target(%dma_start3A_110 : memref<640x128xf32, #tpu.memory_space<vmem_shared>>) target_semaphore(%run_scoped3A_108 : memref<!tpu.dma_semaphore, #tpu.memory_space<semaphore_mem>>)
      %dma_wait3A_111 = arith.constant 0 : i32
      %dma_wait3A_112 = tpu.memref_slice %arg13[%mul3A_57, %dma_wait3A_111] : memref<10240x128xf32, #tpu.memory_space<vmem_shared>> -> memref<640x128xf32, #tpu.memory_space<vmem_shared>>
      tpu.wait_dma2 semaphore(%run_scoped3A_108 : memref<!tpu.dma_semaphore, #tpu.memory_space<semaphore_mem>>) src(%arg7 : memref<640x128xf32, #tpu.memory_space<hbm>>) dst(%dma_wait3A_112 : memref<640x128xf32, #tpu.memory_space<vmem_shared>>)
      tpu.yield
    }) : () -> ()
    %barrier3A_58 = arith.constant 0 : index
    tpu.barrier barrier_id(%barrier3A_58)
    %dma_start3A_59 = arith.constant 0 : i32
    %dma_start3A_60 = tpu.memref_slice %arg4[%add3A, %dma_start3A_59] : memref<160640x128xf32, #tpu.memory_space<hbm>> -> memref<80x128xf32, #tpu.memory_space<hbm>>
    %dma_start3A_61 = arith.constant 0 : i32
    %dma_start3A_62 = tpu.memref_slice %arg4[%add3A, %dma_start3A_61] : memref<160640x128xf32, #tpu.memory_space<hbm>> -> memref<80x128xf32, #tpu.memory_space<hbm>>
    tpu.enqueue_dma source(%dma_start3A_62 : memref<80x128xf32, #tpu.memory_space<hbm>>) target(%arg9 : memref<80x128xf32, #tpu.memory_space<vmem>>) target_semaphore(%arg14 : memref<!tpu.dma_semaphore, #tpu.memory_space<semaphore_mem>>)
    %scan3A_63 = arith.constant 0 : i32
    %scan3A_64 = arith.constant 0 : i32
    %scan3A_65 = arith.constant 31 : i32
    %scan3A_66 = arith.addi %scan3A_64, %scan3A_65 : i32
    %scan3A_67 = arith.constant 1 : i32
    scf.for %scan3A_108 = %scan3A_64 to %scan3A_66 step %scan3A_67  : i32 {
      %mul3A_109 = arith.constant 2 : i32
      %mul3A_110 = arith.muli %mul3A_109, %scan3A_108 : i32
      %add3A_111 = arith.constant 1 : i32
      %add3A_112 = arith.addi %mul3A_110, %add3A_111 : i32
      %mul3A_113 = arith.constant 80 : i32
      %mul3A_114 = arith.muli %add3A_112, %mul3A_113 : i32
      %add3A_115 = arith.addi %add3A, %mul3A_114 : i32
      %dma_start3A_116 = arith.constant 0 : i32
      %dma_start3A_117 = tpu.memref_slice %arg4[%add3A_115, %dma_start3A_116] : memref<160640x128xf32, #tpu.memory_space<hbm>> -> memref<80x128xf32, #tpu.memory_space<hbm>>
      %dma_start3A_118 = arith.constant 0 : i32
      %dma_start3A_119 = tpu.memref_slice %arg4[%add3A_115, %dma_start3A_118] : memref<160640x128xf32, #tpu.memory_space<hbm>> -> memref<80x128xf32, #tpu.memory_space<hbm>>
      tpu.enqueue_dma source(%dma_start3A_119 : memref<80x128xf32, #tpu.memory_space<hbm>>) target(%arg10 : memref<80x128xf32, #tpu.memory_space<vmem>>) target_semaphore(%arg15 : memref<!tpu.dma_semaphore, #tpu.memory_space<semaphore_mem>>)
      %dma_wait3A_120 = arith.constant 0 : i32
      %dma_wait3A_121 = tpu.memref_slice %arg4[%add3A, %dma_wait3A_120] : memref<160640x128xf32, #tpu.memory_space<hbm>> -> memref<80x128xf32, #tpu.memory_space<hbm>>
      %dma_wait3A_122 = arith.constant 0 : i32
      %dma_wait3A_123 = tpu.memref_slice %arg4[%add3A, %dma_wait3A_122] : memref<160640x128xf32, #tpu.memory_space<hbm>> -> memref<80x128xf32, #tpu.memory_space<hbm>>
      tpu.wait_dma2 semaphore(%arg14 : memref<!tpu.dma_semaphore, #tpu.memory_space<semaphore_mem>>) src(%dma_wait3A_123 : memref<80x128xf32, #tpu.memory_space<hbm>>) dst(%arg9 : memref<80x128xf32, #tpu.memory_space<vmem>>)
      %sub3A = arith.constant 1 : i32
      %sub3A_124 = arith.subi %add3A_112, %sub3A : i32
      %run_scoped3A_125 = arith.constant 0 : i32
      "tpu.region"() ({
        %run_scoped3A_142 = tpu.sem_alloc : memref<!tpu.dma_semaphore, #tpu.memory_space<semaphore_mem>>
        %dma_start3A_143 = arith.constant 0 : i32
        %dma_start3A_144 = tpu.memref_slice %arg12[%sub3A_124, %run_scoped3A_125, %dma_start3A_143] : memref<63x1x80xi32, #tpu.memory_space<vmem>> -> memref<1x1x80xi32, #tpu.memory_space<vmem>>
        %dma_start3A_145 = tpu.memref_squeeze %dma_start3A_144 : memref<1x1x80xi32, #tpu.memory_space<vmem>> -> memref<80xi32, #tpu.memory_space<vmem>>
        %dma_start3A_146 = arith.constant 0 : i32
        %dma_start3A_147 = arith.constant 0 : i32
        %dma_start3A_148 = tpu.memref_slice %arg13[%dma_start3A_146, %dma_start3A_147] : memref<10240x128xf32, #tpu.memory_space<vmem_shared>> -> memref<10240x128xf32, #tpu.memory_space<vmem_shared>>
        tpu.enqueue_indirect_dma source(%arg9 : memref<80x128xf32, #tpu.memory_space<vmem>>) target(%dma_start3A_148 : memref<10240x128xf32, #tpu.memory_space<vmem_shared>>) offsets(%dma_start3A_145 : memref<80xi32, #tpu.memory_space<vmem>>) semaphore(%run_scoped3A_142 : memref<!tpu.dma_semaphore, #tpu.memory_space<semaphore_mem>>) {add = true}
        %dma_wait3A_149 = arith.constant 0 : i32
        %dma_wait3A_150 = tpu.memref_slice %arg12[%sub3A_124, %run_scoped3A_125, %dma_wait3A_149] : memref<63x1x80xi32, #tpu.memory_space<vmem>> -> memref<1x1x80xi32, #tpu.memory_space<vmem>>
        %dma_wait3A_151 = tpu.memref_squeeze %dma_wait3A_150 : memref<1x1x80xi32, #tpu.memory_space<vmem>> -> memref<80xi32, #tpu.memory_space<vmem>>
        %dma_wait3A_152 = arith.constant 0 : i32
        %dma_wait3A_153 = arith.constant 0 : i32
        %dma_wait3A_154 = tpu.memref_slice %arg13[%dma_wait3A_152, %dma_wait3A_153] : memref<10240x128xf32, #tpu.memory_space<vmem_shared>> -> memref<10240x128xf32, #tpu.memory_space<vmem_shared>>
        tpu.wait_indirect_dma semaphore(%run_scoped3A_142 : memref<!tpu.dma_semaphore, #tpu.memory_space<semaphore_mem>>) src(%arg9 : memref<80x128xf32, #tpu.memory_space<vmem>>) dst(%dma_wait3A_154 : memref<10240x128xf32, #tpu.memory_space<vmem_shared>>)
        tpu.yield
      }) : () -> ()
      %mul3A_126 = arith.constant 2 : i32
      %mul3A_127 = arith.muli %mul3A_126, %scan3A_108 : i32
      %add3A_128 = arith.constant 2 : i32
      %add3A_129 = arith.addi %mul3A_127, %add3A_128 : i32
      %mul3A_130 = arith.constant 80 : i32
      %mul3A_131 = arith.muli %add3A_129, %mul3A_130 : i32
      %add3A_132 = arith.addi %add3A, %mul3A_131 : i32
      %dma_start3A_133 = arith.constant 0 : i32
      %dma_start3A_134 = tpu.memref_slice %arg4[%add3A_132, %dma_start3A_133] : memref<160640x128xf32, #tpu.memory_space<hbm>> -> memref<80x128xf32, #tpu.memory_space<hbm>>
      %dma_start3A_135 = arith.constant 0 : i32
      %dma_start3A_136 = tpu.memref_slice %arg4[%add3A_132, %dma_start3A_135] : memref<160640x128xf32, #tpu.memory_space<hbm>> -> memref<80x128xf32, #tpu.memory_space<hbm>>
      tpu.enqueue_dma source(%dma_start3A_136 : memref<80x128xf32, #tpu.memory_space<hbm>>) target(%arg9 : memref<80x128xf32, #tpu.memory_space<vmem>>) target_semaphore(%arg14 : memref<!tpu.dma_semaphore, #tpu.memory_space<semaphore_mem>>)
      %dma_wait3A_137 = arith.constant 0 : i32
      %dma_wait3A_138 = tpu.memref_slice %arg4[%add3A, %dma_wait3A_137] : memref<160640x128xf32, #tpu.memory_space<hbm>> -> memref<80x128xf32, #tpu.memory_space<hbm>>
      %dma_wait3A_139 = arith.constant 0 : i32
      %dma_wait3A_140 = tpu.memref_slice %arg4[%add3A, %dma_wait3A_139] : memref<160640x128xf32, #tpu.memory_space<hbm>> -> memref<80x128xf32, #tpu.memory_space<hbm>>
      tpu.wait_dma2 semaphore(%arg15 : memref<!tpu.dma_semaphore, #tpu.memory_space<semaphore_mem>>) src(%dma_wait3A_140 : memref<80x128xf32, #tpu.memory_space<hbm>>) dst(%arg10 : memref<80x128xf32, #tpu.memory_space<vmem>>)
      %run_scoped3A_141 = arith.constant 0 : i32
      "tpu.region"() ({
        %run_scoped3A_142 = tpu.sem_alloc : memref<!tpu.dma_semaphore, #tpu.memory_space<semaphore_mem>>
        %dma_start3A_143 = arith.constant 0 : i32
        %dma_start3A_144 = tpu.memref_slice %arg12[%add3A_112, %run_scoped3A_141, %dma_start3A_143] : memref<63x1x80xi32, #tpu.memory_space<vmem>> -> memref<1x1x80xi32, #tpu.memory_space<vmem>>
        %dma_start3A_145 = tpu.memref_squeeze %dma_start3A_144 : memref<1x1x80xi32, #tpu.memory_space<vmem>> -> memref<80xi32, #tpu.memory_space<vmem>>
        %dma_start3A_146 = arith.constant 0 : i32
        %dma_start3A_147 = arith.constant 0 : i32
        %dma_start3A_148 = tpu.memref_slice %arg13[%dma_start3A_146, %dma_start3A_147] : memref<10240x128xf32, #tpu.memory_space<vmem_shared>> -> memref<10240x128xf32, #tpu.memory_space<vmem_shared>>
        tpu.enqueue_indirect_dma source(%arg10 : memref<80x128xf32, #tpu.memory_space<vmem>>) target(%dma_start3A_148 : memref<10240x128xf32, #tpu.memory_space<vmem_shared>>) offsets(%dma_start3A_145 : memref<80xi32, #tpu.memory_space<vmem>>) semaphore(%run_scoped3A_142 : memref<!tpu.dma_semaphore, #tpu.memory_space<semaphore_mem>>) {add = true}
        %dma_wait3A_149 = arith.constant 0 : i32
        %dma_wait3A_150 = tpu.memref_slice %arg12[%add3A_112, %run_scoped3A_141, %dma_wait3A_149] : memref<63x1x80xi32, #tpu.memory_space<vmem>> -> memref<1x1x80xi32, #tpu.memory_space<vmem>>
        %dma_wait3A_151 = tpu.memref_squeeze %dma_wait3A_150 : memref<1x1x80xi32, #tpu.memory_space<vmem>> -> memref<80xi32, #tpu.memory_space<vmem>>
        %dma_wait3A_152 = arith.constant 0 : i32
        %dma_wait3A_153 = arith.constant 0 : i32
        %dma_wait3A_154 = tpu.memref_slice %arg13[%dma_wait3A_152, %dma_wait3A_153] : memref<10240x128xf32, #tpu.memory_space<vmem_shared>> -> memref<10240x128xf32, #tpu.memory_space<vmem_shared>>
        tpu.wait_indirect_dma semaphore(%run_scoped3A_142 : memref<!tpu.dma_semaphore, #tpu.memory_space<semaphore_mem>>) src(%arg10 : memref<80x128xf32, #tpu.memory_space<vmem>>) dst(%dma_wait3A_154 : memref<10240x128xf32, #tpu.memory_space<vmem_shared>>)
        tpu.yield
      }) : () -> ()
    }
    %scan3A_68 = arith.constant 31 : i32
    %dma_wait3A_69 = arith.constant 0 : i32
    %dma_wait3A_70 = tpu.memref_slice %arg4[%add3A, %dma_wait3A_69] : memref<160640x128xf32, #tpu.memory_space<hbm>> -> memref<80x128xf32, #tpu.memory_space<hbm>>
    %dma_wait3A_71 = arith.constant 0 : i32
    %dma_wait3A_72 = tpu.memref_slice %arg4[%add3A, %dma_wait3A_71] : memref<160640x128xf32, #tpu.memory_space<hbm>> -> memref<80x128xf32, #tpu.memory_space<hbm>>
    tpu.wait_dma2 semaphore(%arg14 : memref<!tpu.dma_semaphore, #tpu.memory_space<semaphore_mem>>) src(%dma_wait3A_72 : memref<80x128xf32, #tpu.memory_space<hbm>>) dst(%arg9 : memref<80x128xf32, #tpu.memory_space<vmem>>)
    %run_scoped3A_73 = arith.constant 62 : i32
    %run_scoped3A_74 = arith.constant 0 : i32
    "tpu.region"() ({
      %run_scoped3A_108 = tpu.sem_alloc : memref<!tpu.dma_semaphore, #tpu.memory_space<semaphore_mem>>
      %dma_start3A_109 = arith.constant 0 : i32
      %dma_start3A_110 = tpu.memref_slice %arg12[%run_scoped3A_73, %run_scoped3A_74, %dma_start3A_109] : memref<63x1x80xi32, #tpu.memory_space<vmem>> -> memref<1x1x80xi32, #tpu.memory_space<vmem>>
      %dma_start3A_111 = tpu.memref_squeeze %dma_start3A_110 : memref<1x1x80xi32, #tpu.memory_space<vmem>> -> memref<80xi32, #tpu.memory_space<vmem>>
      %dma_start3A_112 = arith.constant 0 : i32
      %dma_start3A_113 = arith.constant 0 : i32
      %dma_start3A_114 = tpu.memref_slice %arg13[%dma_start3A_112, %dma_start3A_113] : memref<10240x128xf32, #tpu.memory_space<vmem_shared>> -> memref<10240x128xf32, #tpu.memory_space<vmem_shared>>
      tpu.enqueue_indirect_dma source(%arg9 : memref<80x128xf32, #tpu.memory_space<vmem>>) target(%dma_start3A_114 : memref<10240x128xf32, #tpu.memory_space<vmem_shared>>) offsets(%dma_start3A_111 : memref<80xi32, #tpu.memory_space<vmem>>) semaphore(%run_scoped3A_108 : memref<!tpu.dma_semaphore, #tpu.memory_space<semaphore_mem>>) {add = true}
      %dma_wait3A_115 = arith.constant 0 : i32
      %dma_wait3A_116 = tpu.memref_slice %arg12[%run_scoped3A_73, %run_scoped3A_74, %dma_wait3A_115] : memref<63x1x80xi32, #tpu.memory_space<vmem>> -> memref<1x1x80xi32, #tpu.memory_space<vmem>>
      %dma_wait3A_117 = tpu.memref_squeeze %dma_wait3A_116 : memref<1x1x80xi32, #tpu.memory_space<vmem>> -> memref<80xi32, #tpu.memory_space<vmem>>
      %dma_wait3A_118 = arith.constant 0 : i32
      %dma_wait3A_119 = arith.constant 0 : i32
      %dma_wait3A_120 = tpu.memref_slice %arg13[%dma_wait3A_118, %dma_wait3A_119] : memref<10240x128xf32, #tpu.memory_space<vmem_shared>> -> memref<10240x128xf32, #tpu.memory_space<vmem_shared>>
      tpu.wait_indirect_dma semaphore(%run_scoped3A_108 : memref<!tpu.dma_semaphore, #tpu.memory_space<semaphore_mem>>) src(%arg9 : memref<80x128xf32, #tpu.memory_space<vmem>>) dst(%dma_wait3A_120 : memref<10240x128xf32, #tpu.memory_space<vmem_shared>>)
      tpu.yield
    }) : () -> ()
    %barrier3A_75 = arith.constant 0 : index
    tpu.barrier barrier_id(%barrier3A_75)
    %mul3A_76 = arith.constant 632 : i32
    %mul3A_77 = arith.muli %arg1, %mul3A_76 : i32
    %mul3A_78 = arith.constant 632 : i32
    %mul3A_79 = arith.muli %arg1, %mul3A_78 : i32
    %run_scoped3A_80 = arith.constant 2 : i32
    "tpu.region"() ({
      %run_scoped3A_108 = tpu.sem_alloc : memref<!tpu.dma_semaphore, #tpu.memory_space<semaphore_mem>>
      %dma_start3A_109 = arith.constant 0 : i32
      %dma_start3A_110 = tpu.memref_slice %arg8[%arg0, %run_scoped3A_80, %mul3A_79, %dma_start3A_109] : memref<2x4x10112x128xf32, #tpu.memory_space<hbm>> -> memref<1x1x632x128xf32, #tpu.memory_space<hbm>>
      %dma_start3A_111 = tpu.memref_squeeze %dma_start3A_110 : memref<1x1x632x128xf32, #tpu.memory_space<hbm>> -> memref<632x128xf32, #tpu.memory_space<hbm>>
      %dma_start3A_112 = arith.constant 0 : i32
      %dma_start3A_113 = tpu.memref_slice %arg13[%mul3A_77, %dma_start3A_112] : memref<10240x128xf32, #tpu.memory_space<vmem_shared>> -> memref<632x128xf32, #tpu.memory_space<vmem_shared>>
      tpu.enqueue_dma source(%dma_start3A_113 : memref<632x128xf32, #tpu.memory_space<vmem_shared>>) target(%dma_start3A_111 : memref<632x128xf32, #tpu.memory_space<hbm>>) target_semaphore(%run_scoped3A_108 : memref<!tpu.dma_semaphore, #tpu.memory_space<semaphore_mem>>)
      %dma_wait3A_114 = arith.constant 0 : i32
      %dma_wait3A_115 = tpu.memref_slice %arg8[%arg0, %run_scoped3A_80, %mul3A_79, %dma_wait3A_114] : memref<2x4x10112x128xf32, #tpu.memory_space<hbm>> -> memref<1x1x632x128xf32, #tpu.memory_space<hbm>>
      %dma_wait3A_116 = tpu.memref_squeeze %dma_wait3A_115 : memref<1x1x632x128xf32, #tpu.memory_space<hbm>> -> memref<632x128xf32, #tpu.memory_space<hbm>>
      %dma_wait3A_117 = arith.constant 0 : i32
      %dma_wait3A_118 = tpu.memref_slice %arg13[%mul3A_77, %dma_wait3A_117] : memref<10240x128xf32, #tpu.memory_space<vmem_shared>> -> memref<632x128xf32, #tpu.memory_space<vmem_shared>>
      tpu.wait_dma2 semaphore(%run_scoped3A_108 : memref<!tpu.dma_semaphore, #tpu.memory_space<semaphore_mem>>) src(%dma_wait3A_118 : memref<632x128xf32, #tpu.memory_space<vmem_shared>>) dst(%dma_wait3A_116 : memref<632x128xf32, #tpu.memory_space<hbm>>)
      tpu.yield
    }) : () -> ()
    %barrier3A_81 = arith.constant 0 : index
    tpu.barrier barrier_id(%barrier3A_81)
    %mul3A_82 = arith.constant 640 : i32
    %mul3A_83 = arith.muli %arg1, %mul3A_82 : i32
    "tpu.region"() ({
      %run_scoped3A_108 = tpu.sem_alloc : memref<!tpu.dma_semaphore, #tpu.memory_space<semaphore_mem>>
      %dma_start3A_109 = arith.constant 0 : i32
      %dma_start3A_110 = tpu.memref_slice %arg13[%mul3A_83, %dma_start3A_109] : memref<10240x128xf32, #tpu.memory_space<vmem_shared>> -> memref<640x128xf32, #tpu.memory_space<vmem_shared>>
      tpu.enqueue_dma source(%arg7 : memref<640x128xf32, #tpu.memory_space<hbm>>) target(%dma_start3A_110 : memref<640x128xf32, #tpu.memory_space<vmem_shared>>) target_semaphore(%run_scoped3A_108 : memref<!tpu.dma_semaphore, #tpu.memory_space<semaphore_mem>>)
      %dma_wait3A_111 = arith.constant 0 : i32
      %dma_wait3A_112 = tpu.memref_slice %arg13[%mul3A_83, %dma_wait3A_111] : memref<10240x128xf32, #tpu.memory_space<vmem_shared>> -> memref<640x128xf32, #tpu.memory_space<vmem_shared>>
      tpu.wait_dma2 semaphore(%run_scoped3A_108 : memref<!tpu.dma_semaphore, #tpu.memory_space<semaphore_mem>>) src(%arg7 : memref<640x128xf32, #tpu.memory_space<hbm>>) dst(%dma_wait3A_112 : memref<640x128xf32, #tpu.memory_space<vmem_shared>>)
      tpu.yield
    }) : () -> ()
    %barrier3A_84 = arith.constant 0 : index
    tpu.barrier barrier_id(%barrier3A_84)
    %dma_start3A_85 = arith.constant 0 : i32
    %dma_start3A_86 = tpu.memref_slice %arg5[%add3A, %dma_start3A_85] : memref<160640x128xf32, #tpu.memory_space<hbm>> -> memref<80x128xf32, #tpu.memory_space<hbm>>
    %dma_start3A_87 = arith.constant 0 : i32
    %dma_start3A_88 = tpu.memref_slice %arg5[%add3A, %dma_start3A_87] : memref<160640x128xf32, #tpu.memory_space<hbm>> -> memref<80x128xf32, #tpu.memory_space<hbm>>
    tpu.enqueue_dma source(%dma_start3A_88 : memref<80x128xf32, #tpu.memory_space<hbm>>) target(%arg9 : memref<80x128xf32, #tpu.memory_space<vmem>>) target_semaphore(%arg14 : memref<!tpu.dma_semaphore, #tpu.memory_space<semaphore_mem>>)
    %scan3A_89 = arith.constant 0 : i32
    %scan3A_90 = arith.constant 0 : i32
    %scan3A_91 = arith.constant 31 : i32
    %scan3A_92 = arith.addi %scan3A_90, %scan3A_91 : i32
    %scan3A_93 = arith.constant 1 : i32
    scf.for %scan3A_108 = %scan3A_90 to %scan3A_92 step %scan3A_93  : i32 {
      %mul3A_109 = arith.constant 2 : i32
      %mul3A_110 = arith.muli %mul3A_109, %scan3A_108 : i32
      %add3A_111 = arith.constant 1 : i32
      %add3A_112 = arith.addi %mul3A_110, %add3A_111 : i32
      %mul3A_113 = arith.constant 80 : i32
      %mul3A_114 = arith.muli %add3A_112, %mul3A_113 : i32
      %add3A_115 = arith.addi %add3A, %mul3A_114 : i32
      %dma_start3A_116 = arith.constant 0 : i32
      %dma_start3A_117 = tpu.memref_slice %arg5[%add3A_115, %dma_start3A_116] : memref<160640x128xf32, #tpu.memory_space<hbm>> -> memref<80x128xf32, #tpu.memory_space<hbm>>
      %dma_start3A_118 = arith.constant 0 : i32
      %dma_start3A_119 = tpu.memref_slice %arg5[%add3A_115, %dma_start3A_118] : memref<160640x128xf32, #tpu.memory_space<hbm>> -> memref<80x128xf32, #tpu.memory_space<hbm>>
      tpu.enqueue_dma source(%dma_start3A_119 : memref<80x128xf32, #tpu.memory_space<hbm>>) target(%arg10 : memref<80x128xf32, #tpu.memory_space<vmem>>) target_semaphore(%arg15 : memref<!tpu.dma_semaphore, #tpu.memory_space<semaphore_mem>>)
      %dma_wait3A_120 = arith.constant 0 : i32
      %dma_wait3A_121 = tpu.memref_slice %arg5[%add3A, %dma_wait3A_120] : memref<160640x128xf32, #tpu.memory_space<hbm>> -> memref<80x128xf32, #tpu.memory_space<hbm>>
      %dma_wait3A_122 = arith.constant 0 : i32
      %dma_wait3A_123 = tpu.memref_slice %arg5[%add3A, %dma_wait3A_122] : memref<160640x128xf32, #tpu.memory_space<hbm>> -> memref<80x128xf32, #tpu.memory_space<hbm>>
      tpu.wait_dma2 semaphore(%arg14 : memref<!tpu.dma_semaphore, #tpu.memory_space<semaphore_mem>>) src(%dma_wait3A_123 : memref<80x128xf32, #tpu.memory_space<hbm>>) dst(%arg9 : memref<80x128xf32, #tpu.memory_space<vmem>>)
      %sub3A = arith.constant 1 : i32
      %sub3A_124 = arith.subi %add3A_112, %sub3A : i32
      %run_scoped3A_125 = arith.constant 0 : i32
      "tpu.region"() ({
        %run_scoped3A_142 = tpu.sem_alloc : memref<!tpu.dma_semaphore, #tpu.memory_space<semaphore_mem>>
        %dma_start3A_143 = arith.constant 0 : i32
        %dma_start3A_144 = tpu.memref_slice %arg12[%sub3A_124, %run_scoped3A_125, %dma_start3A_143] : memref<63x1x80xi32, #tpu.memory_space<vmem>> -> memref<1x1x80xi32, #tpu.memory_space<vmem>>
        %dma_start3A_145 = tpu.memref_squeeze %dma_start3A_144 : memref<1x1x80xi32, #tpu.memory_space<vmem>> -> memref<80xi32, #tpu.memory_space<vmem>>
        %dma_start3A_146 = arith.constant 0 : i32
        %dma_start3A_147 = arith.constant 0 : i32
        %dma_start3A_148 = tpu.memref_slice %arg13[%dma_start3A_146, %dma_start3A_147] : memref<10240x128xf32, #tpu.memory_space<vmem_shared>> -> memref<10240x128xf32, #tpu.memory_space<vmem_shared>>
        tpu.enqueue_indirect_dma source(%arg9 : memref<80x128xf32, #tpu.memory_space<vmem>>) target(%dma_start3A_148 : memref<10240x128xf32, #tpu.memory_space<vmem_shared>>) offsets(%dma_start3A_145 : memref<80xi32, #tpu.memory_space<vmem>>) semaphore(%run_scoped3A_142 : memref<!tpu.dma_semaphore, #tpu.memory_space<semaphore_mem>>) {add = true}
        %dma_wait3A_149 = arith.constant 0 : i32
        %dma_wait3A_150 = tpu.memref_slice %arg12[%sub3A_124, %run_scoped3A_125, %dma_wait3A_149] : memref<63x1x80xi32, #tpu.memory_space<vmem>> -> memref<1x1x80xi32, #tpu.memory_space<vmem>>
        %dma_wait3A_151 = tpu.memref_squeeze %dma_wait3A_150 : memref<1x1x80xi32, #tpu.memory_space<vmem>> -> memref<80xi32, #tpu.memory_space<vmem>>
        %dma_wait3A_152 = arith.constant 0 : i32
        %dma_wait3A_153 = arith.constant 0 : i32
        %dma_wait3A_154 = tpu.memref_slice %arg13[%dma_wait3A_152, %dma_wait3A_153] : memref<10240x128xf32, #tpu.memory_space<vmem_shared>> -> memref<10240x128xf32, #tpu.memory_space<vmem_shared>>
        tpu.wait_indirect_dma semaphore(%run_scoped3A_142 : memref<!tpu.dma_semaphore, #tpu.memory_space<semaphore_mem>>) src(%arg9 : memref<80x128xf32, #tpu.memory_space<vmem>>) dst(%dma_wait3A_154 : memref<10240x128xf32, #tpu.memory_space<vmem_shared>>)
        tpu.yield
      }) : () -> ()
      %mul3A_126 = arith.constant 2 : i32
      %mul3A_127 = arith.muli %mul3A_126, %scan3A_108 : i32
      %add3A_128 = arith.constant 2 : i32
      %add3A_129 = arith.addi %mul3A_127, %add3A_128 : i32
      %mul3A_130 = arith.constant 80 : i32
      %mul3A_131 = arith.muli %add3A_129, %mul3A_130 : i32
      %add3A_132 = arith.addi %add3A, %mul3A_131 : i32
      %dma_start3A_133 = arith.constant 0 : i32
      %dma_start3A_134 = tpu.memref_slice %arg5[%add3A_132, %dma_start3A_133] : memref<160640x128xf32, #tpu.memory_space<hbm>> -> memref<80x128xf32, #tpu.memory_space<hbm>>
      %dma_start3A_135 = arith.constant 0 : i32
      %dma_start3A_136 = tpu.memref_slice %arg5[%add3A_132, %dma_start3A_135] : memref<160640x128xf32, #tpu.memory_space<hbm>> -> memref<80x128xf32, #tpu.memory_space<hbm>>
      tpu.enqueue_dma source(%dma_start3A_136 : memref<80x128xf32, #tpu.memory_space<hbm>>) target(%arg9 : memref<80x128xf32, #tpu.memory_space<vmem>>) target_semaphore(%arg14 : memref<!tpu.dma_semaphore, #tpu.memory_space<semaphore_mem>>)
      %dma_wait3A_137 = arith.constant 0 : i32
      %dma_wait3A_138 = tpu.memref_slice %arg5[%add3A, %dma_wait3A_137] : memref<160640x128xf32, #tpu.memory_space<hbm>> -> memref<80x128xf32, #tpu.memory_space<hbm>>
      %dma_wait3A_139 = arith.constant 0 : i32
      %dma_wait3A_140 = tpu.memref_slice %arg5[%add3A, %dma_wait3A_139] : memref<160640x128xf32, #tpu.memory_space<hbm>> -> memref<80x128xf32, #tpu.memory_space<hbm>>
      tpu.wait_dma2 semaphore(%arg15 : memref<!tpu.dma_semaphore, #tpu.memory_space<semaphore_mem>>) src(%dma_wait3A_140 : memref<80x128xf32, #tpu.memory_space<hbm>>) dst(%arg10 : memref<80x128xf32, #tpu.memory_space<vmem>>)
      %run_scoped3A_141 = arith.constant 0 : i32
      "tpu.region"() ({
        %run_scoped3A_142 = tpu.sem_alloc : memref<!tpu.dma_semaphore, #tpu.memory_space<semaphore_mem>>
        %dma_start3A_143 = arith.constant 0 : i32
        %dma_start3A_144 = tpu.memref_slice %arg12[%add3A_112, %run_scoped3A_141, %dma_start3A_143] : memref<63x1x80xi32, #tpu.memory_space<vmem>> -> memref<1x1x80xi32, #tpu.memory_space<vmem>>
        %dma_start3A_145 = tpu.memref_squeeze %dma_start3A_144 : memref<1x1x80xi32, #tpu.memory_space<vmem>> -> memref<80xi32, #tpu.memory_space<vmem>>
        %dma_start3A_146 = arith.constant 0 : i32
        %dma_start3A_147 = arith.constant 0 : i32
        %dma_start3A_148 = tpu.memref_slice %arg13[%dma_start3A_146, %dma_start3A_147] : memref<10240x128xf32, #tpu.memory_space<vmem_shared>> -> memref<10240x128xf32, #tpu.memory_space<vmem_shared>>
        tpu.enqueue_indirect_dma source(%arg10 : memref<80x128xf32, #tpu.memory_space<vmem>>) target(%dma_start3A_148 : memref<10240x128xf32, #tpu.memory_space<vmem_shared>>) offsets(%dma_start3A_145 : memref<80xi32, #tpu.memory_space<vmem>>) semaphore(%run_scoped3A_142 : memref<!tpu.dma_semaphore, #tpu.memory_space<semaphore_mem>>) {add = true}
        %dma_wait3A_149 = arith.constant 0 : i32
        %dma_wait3A_150 = tpu.memref_slice %arg12[%add3A_112, %run_scoped3A_141, %dma_wait3A_149] : memref<63x1x80xi32, #tpu.memory_space<vmem>> -> memref<1x1x80xi32, #tpu.memory_space<vmem>>
        %dma_wait3A_151 = tpu.memref_squeeze %dma_wait3A_150 : memref<1x1x80xi32, #tpu.memory_space<vmem>> -> memref<80xi32, #tpu.memory_space<vmem>>
        %dma_wait3A_152 = arith.constant 0 : i32
        %dma_wait3A_153 = arith.constant 0 : i32
        %dma_wait3A_154 = tpu.memref_slice %arg13[%dma_wait3A_152, %dma_wait3A_153] : memref<10240x128xf32, #tpu.memory_space<vmem_shared>> -> memref<10240x128xf32, #tpu.memory_space<vmem_shared>>
        tpu.wait_indirect_dma semaphore(%run_scoped3A_142 : memref<!tpu.dma_semaphore, #tpu.memory_space<semaphore_mem>>) src(%arg10 : memref<80x128xf32, #tpu.memory_space<vmem>>) dst(%dma_wait3A_154 : memref<10240x128xf32, #tpu.memory_space<vmem_shared>>)
        tpu.yield
      }) : () -> ()
    }
    %scan3A_94 = arith.constant 31 : i32
    %dma_wait3A_95 = arith.constant 0 : i32
    %dma_wait3A_96 = tpu.memref_slice %arg5[%add3A, %dma_wait3A_95] : memref<160640x128xf32, #tpu.memory_space<hbm>> -> memref<80x128xf32, #tpu.memory_space<hbm>>
    %dma_wait3A_97 = arith.constant 0 : i32
    %dma_wait3A_98 = tpu.memref_slice %arg5[%add3A, %dma_wait3A_97] : memref<160640x128xf32, #tpu.memory_space<hbm>> -> memref<80x128xf32, #tpu.memory_space<hbm>>
    tpu.wait_dma2 semaphore(%arg14 : memref<!tpu.dma_semaphore, #tpu.memory_space<semaphore_mem>>) src(%dma_wait3A_98 : memref<80x128xf32, #tpu.memory_space<hbm>>) dst(%arg9 : memref<80x128xf32, #tpu.memory_space<vmem>>)
    %run_scoped3A_99 = arith.constant 62 : i32
    %run_scoped3A_100 = arith.constant 0 : i32
    "tpu.region"() ({
      %run_scoped3A_108 = tpu.sem_alloc : memref<!tpu.dma_semaphore, #tpu.memory_space<semaphore_mem>>
      %dma_start3A_109 = arith.constant 0 : i32
      %dma_start3A_110 = tpu.memref_slice %arg12[%run_scoped3A_99, %run_scoped3A_100, %dma_start3A_109] : memref<63x1x80xi32, #tpu.memory_space<vmem>> -> memref<1x1x80xi32, #tpu.memory_space<vmem>>
      %dma_start3A_111 = tpu.memref_squeeze %dma_start3A_110 : memref<1x1x80xi32, #tpu.memory_space<vmem>> -> memref<80xi32, #tpu.memory_space<vmem>>
      %dma_start3A_112 = arith.constant 0 : i32
      %dma_start3A_113 = arith.constant 0 : i32
      %dma_start3A_114 = tpu.memref_slice %arg13[%dma_start3A_112, %dma_start3A_113] : memref<10240x128xf32, #tpu.memory_space<vmem_shared>> -> memref<10240x128xf32, #tpu.memory_space<vmem_shared>>
      tpu.enqueue_indirect_dma source(%arg9 : memref<80x128xf32, #tpu.memory_space<vmem>>) target(%dma_start3A_114 : memref<10240x128xf32, #tpu.memory_space<vmem_shared>>) offsets(%dma_start3A_111 : memref<80xi32, #tpu.memory_space<vmem>>) semaphore(%run_scoped3A_108 : memref<!tpu.dma_semaphore, #tpu.memory_space<semaphore_mem>>) {add = true}
      %dma_wait3A_115 = arith.constant 0 : i32
      %dma_wait3A_116 = tpu.memref_slice %arg12[%run_scoped3A_99, %run_scoped3A_100, %dma_wait3A_115] : memref<63x1x80xi32, #tpu.memory_space<vmem>> -> memref<1x1x80xi32, #tpu.memory_space<vmem>>
      %dma_wait3A_117 = tpu.memref_squeeze %dma_wait3A_116 : memref<1x1x80xi32, #tpu.memory_space<vmem>> -> memref<80xi32, #tpu.memory_space<vmem>>
      %dma_wait3A_118 = arith.constant 0 : i32
      %dma_wait3A_119 = arith.constant 0 : i32
      %dma_wait3A_120 = tpu.memref_slice %arg13[%dma_wait3A_118, %dma_wait3A_119] : memref<10240x128xf32, #tpu.memory_space<vmem_shared>> -> memref<10240x128xf32, #tpu.memory_space<vmem_shared>>
      tpu.wait_indirect_dma semaphore(%run_scoped3A_108 : memref<!tpu.dma_semaphore, #tpu.memory_space<semaphore_mem>>) src(%arg9 : memref<80x128xf32, #tpu.memory_space<vmem>>) dst(%dma_wait3A_120 : memref<10240x128xf32, #tpu.memory_space<vmem_shared>>)
      tpu.yield
    }) : () -> ()
    %barrier3A_101 = arith.constant 0 : index
    tpu.barrier barrier_id(%barrier3A_101)
    %mul3A_102 = arith.constant 632 : i32
    %mul3A_103 = arith.muli %arg1, %mul3A_102 : i32
    %mul3A_104 = arith.constant 632 : i32
    %mul3A_105 = arith.muli %arg1, %mul3A_104 : i32
    %run_scoped3A_106 = arith.constant 3 : i32
    "tpu.region"() ({
      %run_scoped3A_108 = tpu.sem_alloc : memref<!tpu.dma_semaphore, #tpu.memory_space<semaphore_mem>>
      %dma_start3A_109 = arith.constant 0 : i32
      %dma_start3A_110 = tpu.memref_slice %arg8[%arg0, %run_scoped3A_106, %mul3A_105, %dma_start3A_109] : memref<2x4x10112x128xf32, #tpu.memory_space<hbm>> -> memref<1x1x632x128xf32, #tpu.memory_space<hbm>>
      %dma_start3A_111 = tpu.memref_squeeze %dma_start3A_110 : memref<1x1x632x128xf32, #tpu.memory_space<hbm>> -> memref<632x128xf32, #tpu.memory_space<hbm>>
      %dma_start3A_112 = arith.constant 0 : i32
      %dma_start3A_113 = tpu.memref_slice %arg13[%mul3A_103, %dma_start3A_112] : memref<10240x128xf32, #tpu.memory_space<vmem_shared>> -> memref<632x128xf32, #tpu.memory_space<vmem_shared>>
      tpu.enqueue_dma source(%dma_start3A_113 : memref<632x128xf32, #tpu.memory_space<vmem_shared>>) target(%dma_start3A_111 : memref<632x128xf32, #tpu.memory_space<hbm>>) target_semaphore(%run_scoped3A_108 : memref<!tpu.dma_semaphore, #tpu.memory_space<semaphore_mem>>)
      %dma_wait3A_114 = arith.constant 0 : i32
      %dma_wait3A_115 = tpu.memref_slice %arg8[%arg0, %run_scoped3A_106, %mul3A_105, %dma_wait3A_114] : memref<2x4x10112x128xf32, #tpu.memory_space<hbm>> -> memref<1x1x632x128xf32, #tpu.memory_space<hbm>>
      %dma_wait3A_116 = tpu.memref_squeeze %dma_wait3A_115 : memref<1x1x632x128xf32, #tpu.memory_space<hbm>> -> memref<632x128xf32, #tpu.memory_space<hbm>>
      %dma_wait3A_117 = arith.constant 0 : i32
      %dma_wait3A_118 = tpu.memref_slice %arg13[%mul3A_103, %dma_wait3A_117] : memref<10240x128xf32, #tpu.memory_space<vmem_shared>> -> memref<632x128xf32, #tpu.memory_space<vmem_shared>>
      tpu.wait_dma2 semaphore(%run_scoped3A_108 : memref<!tpu.dma_semaphore, #tpu.memory_space<semaphore_mem>>) src(%dma_wait3A_118 : memref<632x128xf32, #tpu.memory_space<vmem_shared>>) dst(%dma_wait3A_116 : memref<632x128xf32, #tpu.memory_space<hbm>>)
      tpu.yield
    }) : () -> ()
    %barrier3A_107 = arith.constant 0 : index
    tpu.barrier barrier_id(%barrier3A_107)
    return
  }
}

module attributes {stable_mosaic.version = 14 : i64} {
  func.func @_tc_main_body(%arg0: i32, %arg1: memref<2000x128xf32, #tpu.memory_space<vmem>>, %arg2: memref<1x1x2000xf32, #tpu.memory_space<vmem>>, %arg3: memref<1x2000x8xf32, #tpu.memory_space<vmem>>, %arg4: memref<1x10xf32, #tpu.memory_space<vmem>>, %arg5: memref<1x10xf32, #tpu.memory_space<vmem>>, %arg6: memref<128x1280xbf16, #tpu.memory_space<vmem>>, %arg7: memref<10x1280xbf16, #tpu.memory_space<vmem>>, %arg8: memref<2000x128xf32, #tpu.memory_space<vmem>>, %arg9: memref<2000x128xf32, #tpu.memory_space<vmem>>, %arg10: memref<2000x128xf32, #tpu.memory_space<vmem>>, %arg11: memref<2000x128xf32, #tpu.memory_space<vmem>>) attributes {dimension_semantics = [#tpu.dimension_semantics<arbitrary>], iteration_bounds = array<i64: 80>, scalar_prefetch = 0 : i64, scratch_operands = 0 : i64, tpu.core_type = #tpu.core_type<tc>, window_params = [{transform_indices = @transform_0, window_bounds = array<i64: 2000, 128>}, {transform_indices = @transform_1, window_bounds = array<i64: 1, 1, 2000>}, {transform_indices = @transform_2, window_bounds = array<i64: 1, 2000, 8>}, {pipeline_mode = #tpu.pipeline_mode<synchronous>, transform_indices = @transform_3, window_bounds = array<i64: 1, 10>}, {pipeline_mode = #tpu.pipeline_mode<synchronous>, transform_indices = @transform_4, window_bounds = array<i64: 1, 10>}, {pipeline_mode = #tpu.pipeline_mode<synchronous>, transform_indices = @transform_5, window_bounds = array<i64: 128, 1280>}, {pipeline_mode = #tpu.pipeline_mode<synchronous>, transform_indices = @transform_6, window_bounds = array<i64: 10, 1280>}, {transform_indices = @transform_7, window_bounds = array<i64: 2000, 128>}, {transform_indices = @transform_8, window_bounds = array<i64: 2000, 128>}, {transform_indices = @transform_9, window_bounds = array<i64: 2000, 128>}, {transform_indices = @transform_10, window_bounds = array<i64: 2000, 128>}]} {
    %get3A = arith.constant 0 : index
    %get3A_0 = arith.constant 0 : index
    %get3A_1 = vector.load %arg1[%get3A, %get3A_0] : memref<2000x128xf32, #tpu.memory_space<vmem>>, vector<2000x128xf32>
    %get3A_2 = arith.constant 0 : index
    %get3A_3 = arith.constant 0 : index
    %get3A_4 = arith.constant 0 : index
    %get3A_5 = vector.load %arg2[%get3A_2, %get3A_3, %get3A_4] : memref<1x1x2000xf32, #tpu.memory_space<vmem>>, vector<1x1x2000xf32>
    %get3A_6 = vector.shape_cast %get3A_5 : vector<1x1x2000xf32> to vector<1x2000xf32>
    %max3A = arith.constant 9.99999997E-7 : f32
    %max3A_7 = vector.broadcast %max3A : f32 to vector<1x2000xf32>
    %max3A_8 = arith.maximumf %get3A_6, %max3A_7 : vector<1x2000xf32>
    %div3A = arith.constant 1.000000e+00 : f32
    %div3A_9 = vector.broadcast %div3A : f32 to vector<1x2000xf32>
    %div3A_10 = arith.divf %div3A_9, %max3A_8 : vector<1x2000xf32>
    %lt3A = arith.constant 5.500000e+00 : f32
    %lt3A_11 = vector.broadcast %lt3A : f32 to vector<1x2000xf32>
    %lt3A_12 = arith.cmpf olt, %max3A_8, %lt3A_11 : vector<1x2000xf32>
    %mul3A = arith.constant 0.571198642 : f32
    %mul3A_13 = vector.broadcast %mul3A : f32 to vector<1x2000xf32>
    %mul3A_14 = arith.mulf %mul3A_13, %max3A_8 : vector<1x2000xf32>
    %cos3A = math.cos %mul3A_14 : vector<1x2000xf32>
    %add3A = arith.constant 1.000000e+00 : f32
    %add3A_15 = vector.broadcast %add3A : f32 to vector<1x2000xf32>
    %add3A_16 = arith.addf %cos3A, %add3A_15 : vector<1x2000xf32>
    %mul3A_17 = arith.constant 5.000000e-01 : f32
    %mul3A_18 = vector.broadcast %mul3A_17 : f32 to vector<1x2000xf32>
    %mul3A_19 = arith.mulf %mul3A_18, %add3A_16 : vector<1x2000xf32>
    %jit3A = arith.constant 0.000000e+00 : f32
    %broadcast_in_dim3A = vector.broadcast %jit3A : f32 to vector<1x2000xf32>
    %select_n3A = arith.select %lt3A_12, %mul3A_19, %broadcast_in_dim3A : vector<1x2000xi1>, vector<1x2000xf32>
    %mul3A_20 = arith.mulf %select_n3A, %select_n3A : vector<1x2000xf32>
    %reshape3A = vector.shape_cast %mul3A_20 : vector<1x2000xf32> to vector<2000x1xf32>
    %reshape3A_21 = vector.shape_cast %div3A_10 : vector<1x2000xf32> to vector<2000x1xf32>
    %get3A_22 = arith.constant 0 : index
    %get3A_23 = arith.constant 0 : index
    %get3A_24 = vector.load %arg4[%get3A_22, %get3A_23] : memref<1x10xf32, #tpu.memory_space<vmem>>, vector<1x10xf32>
    %sub3A = vector.broadcast %reshape3A_21 : vector<2000x1xf32> to vector<2000x10xf32>
    %sub3A_25 = vector.broadcast %get3A_24 : vector<1x10xf32> to vector<2000x10xf32>
    %sub3A_26 = arith.subf %sub3A, %sub3A_25 : vector<2000x10xf32>
    %get3A_27 = arith.constant 0 : index
    %get3A_28 = arith.constant 0 : index
    %get3A_29 = vector.load %arg5[%get3A_27, %get3A_28] : memref<1x10xf32, #tpu.memory_space<vmem>>, vector<1x10xf32>
    %div3A_30 = vector.broadcast %get3A_29 : vector<1x10xf32> to vector<2000x10xf32>
    %div3A_31 = arith.divf %sub3A_26, %div3A_30 : vector<2000x10xf32>
    %mul3A_32 = arith.constant -5.000000e-01 : f32
    %mul3A_33 = vector.broadcast %mul3A_32 : f32 to vector<2000x10xf32>
    %mul3A_34 = arith.mulf %mul3A_33, %div3A_31 : vector<2000x10xf32>
    %mul3A_35 = arith.mulf %mul3A_34, %div3A_31 : vector<2000x10xf32>
    %exp3A = math.exp %mul3A_35 : vector<2000x10xf32>
    %convert_element_type3A = arith.truncf %get3A_1 : vector<2000x128xf32> to vector<2000x128xbf16>
    %get3A_36 = arith.constant 0 : index
    %get3A_37 = arith.constant 0 : index
    %get3A_38 = vector.load %arg6[%get3A_36, %get3A_37] : memref<128x1280xbf16, #tpu.memory_space<vmem>>, vector<128x1280xbf16>
    %dot_general3A = arith.constant dense<0.000000e+00> : vector<2000x1280xf32>
    %dot_general3A_39 = tpu.matmul %convert_element_type3A, %get3A_38, %dot_general3A {dimension_numbers = #tpu.dot_dimension_numbers<[1], [0], [0], [1], [0, 0, 1, 1], [], []>, transpose_lhs_hint = false} : vector<2000x128xbf16>, vector<128x1280xbf16>, vector<2000x1280xf32> -> vector<2000x1280xf32>
    %convert_element_type3A_40 = arith.truncf %exp3A : vector<2000x10xf32> to vector<2000x10xbf16>
    %get3A_41 = arith.constant 0 : index
    %get3A_42 = arith.constant 0 : index
    %get3A_43 = vector.load %arg7[%get3A_41, %get3A_42] : memref<10x1280xbf16, #tpu.memory_space<vmem>>, vector<10x1280xbf16>
    %dot_general3A_44 = arith.constant dense<0.000000e+00> : vector<2000x1280xf32>
    %dot_general3A_45 = tpu.matmul %convert_element_type3A_40, %get3A_43, %dot_general3A_44 {dimension_numbers = #tpu.dot_dimension_numbers<[1], [0], [0], [1], [0, 0, 1, 1], [], []>, transpose_lhs_hint = false} : vector<2000x10xbf16>, vector<10x1280xbf16>, vector<2000x1280xf32> -> vector<2000x1280xf32>
    %mul3A_46 = arith.mulf %dot_general3A_45, %dot_general3A_39 : vector<2000x1280xf32>
    %slice3A = vector.extract_strided_slice %mul3A_46 {offsets = [0, 0], sizes = [2000, 128], strides = [1, 1]} : vector<2000x1280xf32> to vector<2000x128xf32>
    %slice3A_47 = vector.extract_strided_slice %mul3A_46 {offsets = [0, 128], sizes = [2000, 128], strides = [1, 1]} : vector<2000x1280xf32> to vector<2000x128xf32>
    %add3A_48 = arith.addf %slice3A, %slice3A_47 : vector<2000x128xf32>
    %slice3A_49 = vector.extract_strided_slice %mul3A_46 {offsets = [0, 256], sizes = [2000, 128], strides = [1, 1]} : vector<2000x1280xf32> to vector<2000x128xf32>
    %add3A_50 = arith.addf %add3A_48, %slice3A_49 : vector<2000x128xf32>
    %slice3A_51 = vector.extract_strided_slice %mul3A_46 {offsets = [0, 384], sizes = [2000, 128], strides = [1, 1]} : vector<2000x1280xf32> to vector<2000x128xf32>
    %add3A_52 = arith.addf %add3A_50, %slice3A_51 : vector<2000x128xf32>
    %slice3A_53 = vector.extract_strided_slice %mul3A_46 {offsets = [0, 512], sizes = [2000, 128], strides = [1, 1]} : vector<2000x1280xf32> to vector<2000x128xf32>
    %add3A_54 = arith.addf %add3A_52, %slice3A_53 : vector<2000x128xf32>
    %slice3A_55 = vector.extract_strided_slice %mul3A_46 {offsets = [0, 640], sizes = [2000, 128], strides = [1, 1]} : vector<2000x1280xf32> to vector<2000x128xf32>
    %add3A_56 = arith.addf %add3A_54, %slice3A_55 : vector<2000x128xf32>
    %slice3A_57 = vector.extract_strided_slice %mul3A_46 {offsets = [0, 768], sizes = [2000, 128], strides = [1, 1]} : vector<2000x1280xf32> to vector<2000x128xf32>
    %add3A_58 = arith.addf %add3A_56, %slice3A_57 : vector<2000x128xf32>
    %slice3A_59 = vector.extract_strided_slice %mul3A_46 {offsets = [0, 896], sizes = [2000, 128], strides = [1, 1]} : vector<2000x1280xf32> to vector<2000x128xf32>
    %add3A_60 = arith.addf %add3A_58, %slice3A_59 : vector<2000x128xf32>
    %slice3A_61 = vector.extract_strided_slice %mul3A_46 {offsets = [0, 1024], sizes = [2000, 128], strides = [1, 1]} : vector<2000x1280xf32> to vector<2000x128xf32>
    %add3A_62 = arith.addf %add3A_60, %slice3A_61 : vector<2000x128xf32>
    %slice3A_63 = vector.extract_strided_slice %mul3A_46 {offsets = [0, 1152], sizes = [2000, 128], strides = [1, 1]} : vector<2000x1280xf32> to vector<2000x128xf32>
    %add3A_64 = arith.addf %add3A_62, %slice3A_63 : vector<2000x128xf32>
    %get3A_65 = arith.constant 0 : index
    %get3A_66 = arith.constant 0 : index
    %get3A_67 = arith.constant 0 : index
    %get3A_68 = vector.load %arg3[%get3A_65, %get3A_66, %get3A_67] : memref<1x2000x8xf32, #tpu.memory_space<vmem>>, vector<1x2000x8xf32>
    %get3A_69 = vector.shape_cast %get3A_68 : vector<1x2000x8xf32> to vector<2000x8xf32>
    %mul3A_70 = vector.broadcast %reshape3A : vector<2000x1xf32> to vector<2000x8xf32>
    %mul3A_71 = arith.mulf %get3A_69, %mul3A_70 : vector<2000x8xf32>
    %slice3A_72 = vector.extract_strided_slice %mul3A_71 {offsets = [0, 0], sizes = [2000, 1], strides = [1, 1]} : vector<2000x8xf32> to vector<2000x1xf32>
    %mul3A_73 = vector.broadcast %slice3A_72 : vector<2000x1xf32> to vector<2000x128xf32>
    %mul3A_74 = arith.mulf %mul3A_73, %add3A_64 : vector<2000x128xf32>
    %swap3A = arith.constant 0 : index
    %swap3A_75 = arith.constant 0 : index
    %swap3A_76 = vector.load %arg8[%swap3A, %swap3A_75] : memref<2000x128xf32, #tpu.memory_space<vmem>>, vector<2000x128xf32>
    tpu.vector_store %arg8[%swap3A, %swap3A_75], %mul3A_74 {strides = array<i32>} : memref<2000x128xf32, #tpu.memory_space<vmem>>, vector<2000x128xf32>,
    %slice3A_77 = vector.extract_strided_slice %mul3A_71 {offsets = [0, 1], sizes = [2000, 1], strides = [1, 1]} : vector<2000x8xf32> to vector<2000x1xf32>
    %mul3A_78 = vector.broadcast %slice3A_77 : vector<2000x1xf32> to vector<2000x128xf32>
    %mul3A_79 = arith.mulf %mul3A_78, %add3A_64 : vector<2000x128xf32>
    %swap3A_80 = arith.constant 0 : index
    %swap3A_81 = arith.constant 0 : index
    %swap3A_82 = vector.load %arg9[%swap3A_80, %swap3A_81] : memref<2000x128xf32, #tpu.memory_space<vmem>>, vector<2000x128xf32>
    tpu.vector_store %arg9[%swap3A_80, %swap3A_81], %mul3A_79 {strides = array<i32>} : memref<2000x128xf32, #tpu.memory_space<vmem>>, vector<2000x128xf32>,
    %slice3A_83 = vector.extract_strided_slice %mul3A_71 {offsets = [0, 2], sizes = [2000, 1], strides = [1, 1]} : vector<2000x8xf32> to vector<2000x1xf32>
    %mul3A_84 = vector.broadcast %slice3A_83 : vector<2000x1xf32> to vector<2000x128xf32>
    %mul3A_85 = arith.mulf %mul3A_84, %add3A_64 : vector<2000x128xf32>
    %swap3A_86 = arith.constant 0 : index
    %swap3A_87 = arith.constant 0 : index
    %swap3A_88 = vector.load %arg10[%swap3A_86, %swap3A_87] : memref<2000x128xf32, #tpu.memory_space<vmem>>, vector<2000x128xf32>
    tpu.vector_store %arg10[%swap3A_86, %swap3A_87], %mul3A_85 {strides = array<i32>} : memref<2000x128xf32, #tpu.memory_space<vmem>>, vector<2000x128xf32>,
    %slice3A_89 = vector.extract_strided_slice %mul3A_71 {offsets = [0, 3], sizes = [2000, 1], strides = [1, 1]} : vector<2000x8xf32> to vector<2000x1xf32>
    %mul3A_90 = vector.broadcast %slice3A_89 : vector<2000x1xf32> to vector<2000x128xf32>
    %mul3A_91 = arith.mulf %mul3A_90, %add3A_64 : vector<2000x128xf32>
    %swap3A_92 = arith.constant 0 : index
    %swap3A_93 = arith.constant 0 : index
    %swap3A_94 = vector.load %arg11[%swap3A_92, %swap3A_93] : memref<2000x128xf32, #tpu.memory_space<vmem>>, vector<2000x128xf32>
    tpu.vector_store %arg11[%swap3A_92, %swap3A_93], %mul3A_91 {strides = array<i32>} : memref<2000x128xf32, #tpu.memory_space<vmem>>, vector<2000x128xf32>,
    return
  }
  func.func @transform_0(%arg0: i32) -> (i32, i32) {
    %c0_i32 = arith.constant 0 : i32
    %c0_i32_0 = arith.constant 0 : i32
    return %arg0, %c0_i32 : i32, i32
  }
  func.func @transform_1(%arg0: i32) -> (i32, i32, i32) {
    %c0_i32 = arith.constant 0 : i32
    %c0_i32_0 = arith.constant 0 : i32
    %c0_i32_1 = arith.constant 0 : i32
    return %arg0, %c0_i32, %c0_i32_0 : i32, i32, i32
  }
  func.func @transform_2(%arg0: i32) -> (i32, i32, i32) {
    %c0_i32 = arith.constant 0 : i32
    %c0_i32_0 = arith.constant 0 : i32
    %c0_i32_1 = arith.constant 0 : i32
    return %arg0, %c0_i32, %c0_i32_0 : i32, i32, i32
  }
  func.func @transform_3(%arg0: i32) -> (i32, i32) {
    %c0_i32 = arith.constant 0 : i32
    %c0_i32_0 = arith.constant 0 : i32
    %c0_i32_1 = arith.constant 0 : i32
    return %c0_i32, %c0_i32_0 : i32, i32
  }
  func.func @transform_4(%arg0: i32) -> (i32, i32) {
    %c0_i32 = arith.constant 0 : i32
    %c0_i32_0 = arith.constant 0 : i32
    %c0_i32_1 = arith.constant 0 : i32
    return %c0_i32, %c0_i32_0 : i32, i32
  }
  func.func @transform_5(%arg0: i32) -> (i32, i32) {
    %c0_i32 = arith.constant 0 : i32
    %c0_i32_0 = arith.constant 0 : i32
    %c0_i32_1 = arith.constant 0 : i32
    return %c0_i32, %c0_i32_0 : i32, i32
  }
  func.func @transform_6(%arg0: i32) -> (i32, i32) {
    %c0_i32 = arith.constant 0 : i32
    %c0_i32_0 = arith.constant 0 : i32
    %c0_i32_1 = arith.constant 0 : i32
    return %c0_i32, %c0_i32_0 : i32, i32
  }
  func.func @transform_7(%arg0: i32) -> (i32, i32) {
    %c0_i32 = arith.constant 0 : i32
    %c0_i32_0 = arith.constant 0 : i32
    return %arg0, %c0_i32 : i32, i32
  }
  func.func @transform_8(%arg0: i32) -> (i32, i32) {
    %c0_i32 = arith.constant 0 : i32
    %c0_i32_0 = arith.constant 0 : i32
    return %arg0, %c0_i32 : i32, i32
  }
  func.func @transform_9(%arg0: i32) -> (i32, i32) {
    %c0_i32 = arith.constant 0 : i32
    %c0_i32_0 = arith.constant 0 : i32
    return %arg0, %c0_i32 : i32, i32
  }
  func.func @transform_10(%arg0: i32) -> (i32, i32) {
    %c0_i32 = arith.constant 0 : i32
    %c0_i32_0 = arith.constant 0 : i32
    return %arg0, %c0_i32 : i32, i32
  }
}

module attributes {stable_mosaic.version = 14 : i64} {
  func.func @_tc_tail_body(%arg0: i32, %arg1: memref<2x4x2528x128xf32, #tpu.memory_space<vmem>>, %arg2: memref<2528x128xf32, #tpu.memory_space<vmem>>, %arg3: memref<128x128xf32, #tpu.memory_space<vmem>>, %arg4: memref<1x128xf32, #tpu.memory_space<vmem>>, %arg5: memref<128x2x128xf32, #tpu.memory_space<vmem>>, %arg6: memref<2x128xf32, #tpu.memory_space<vmem>>, %arg7: memref<2x128xf32, #tpu.memory_space<vmem>>, %arg8: memref<2528x128xf32, #tpu.memory_space<vmem>>) attributes {dimension_semantics = [#tpu.dimension_semantics<arbitrary>], iteration_bounds = array<i64: 4>, scalar_prefetch = 0 : i64, scratch_operands = 0 : i64, tpu.core_type = #tpu.core_type<tc>, window_params = [{transform_indices = @transform_0, window_bounds = array<i64: 2, 4, 2528, 128>}, {transform_indices = @transform_1, window_bounds = array<i64: 2528, 128>}, {pipeline_mode = #tpu.pipeline_mode<synchronous>, transform_indices = @transform_2, window_bounds = array<i64: 128, 128>}, {pipeline_mode = #tpu.pipeline_mode<synchronous>, transform_indices = @transform_3, window_bounds = array<i64: 1, 128>}, {pipeline_mode = #tpu.pipeline_mode<synchronous>, transform_indices = @transform_4, window_bounds = array<i64: 128, 2, 128>}, {pipeline_mode = #tpu.pipeline_mode<synchronous>, transform_indices = @transform_5, window_bounds = array<i64: 2, 128>}, {pipeline_mode = #tpu.pipeline_mode<synchronous>, transform_indices = @transform_6, window_bounds = array<i64: 2, 128>}, {transform_indices = @transform_7, window_bounds = array<i64: 2528, 128>}]} {
    %get3A = arith.constant 0 : index
    %get3A_0 = arith.constant 0 : index
    %get3A_1 = arith.constant 0 : index
    %get3A_2 = arith.constant 0 : index
    %get3A_3 = vector.load %arg1[%get3A, %get3A_0, %get3A_1, %get3A_2] : memref<2x4x2528x128xf32, #tpu.memory_space<vmem>>, vector<1x4x2528x128xf32>
    %get3A_4 = vector.shape_cast %get3A_3 : vector<1x4x2528x128xf32> to vector<4x2528x128xf32>
    %get3A_5 = arith.constant 1 : index
    %get3A_6 = arith.constant 0 : index
    %get3A_7 = arith.constant 0 : index
    %get3A_8 = arith.constant 0 : index
    %get3A_9 = vector.load %arg1[%get3A_5, %get3A_6, %get3A_7, %get3A_8] : memref<2x4x2528x128xf32, #tpu.memory_space<vmem>>, vector<1x4x2528x128xf32>
    %get3A_10 = vector.shape_cast %get3A_9 : vector<1x4x2528x128xf32> to vector<4x2528x128xf32>
    %add3A = arith.addf %get3A_4, %get3A_10 : vector<4x2528x128xf32>
    %slice3A = vector.extract_strided_slice %add3A {offsets = [0, 0, 0], sizes = [1, 2528, 128], strides = [1, 1, 1]} : vector<4x2528x128xf32> to vector<1x2528x128xf32>
    %squeeze3A = vector.shape_cast %slice3A : vector<1x2528x128xf32> to vector<2528x128xf32>
    %slice3A_11 = vector.extract_strided_slice %add3A {offsets = [1, 0, 0], sizes = [1, 2528, 128], strides = [1, 1, 1]} : vector<4x2528x128xf32> to vector<1x2528x128xf32>
    %squeeze3A_12 = vector.shape_cast %slice3A_11 : vector<1x2528x128xf32> to vector<2528x128xf32>
    %slice3A_13 = vector.extract_strided_slice %add3A {offsets = [2, 0, 0], sizes = [1, 2528, 128], strides = [1, 1, 1]} : vector<4x2528x128xf32> to vector<1x2528x128xf32>
    %squeeze3A_14 = vector.shape_cast %slice3A_13 : vector<1x2528x128xf32> to vector<2528x128xf32>
    %slice3A_15 = vector.extract_strided_slice %add3A {offsets = [3, 0, 0], sizes = [1, 2528, 128], strides = [1, 1, 1]} : vector<4x2528x128xf32> to vector<1x2528x128xf32>
    %squeeze3A_16 = vector.shape_cast %slice3A_15 : vector<1x2528x128xf32> to vector<2528x128xf32>
    %mul3A = arith.mulf %squeeze3A_12, %squeeze3A_12 : vector<2528x128xf32>
    %mul3A_17 = arith.mulf %squeeze3A_14, %squeeze3A_14 : vector<2528x128xf32>
    %add3A_18 = arith.addf %mul3A, %mul3A_17 : vector<2528x128xf32>
    %mul3A_19 = arith.mulf %squeeze3A_16, %squeeze3A_16 : vector<2528x128xf32>
    %add3A_20 = arith.addf %add3A_18, %mul3A_19 : vector<2528x128xf32>
    %broadcast_in_dim3A = arith.constant 0.000000e+00 : f32
    %broadcast_in_dim3A_21 = vector.broadcast %broadcast_in_dim3A : f32 to vector<2528x128xf32>
    %reduce_sum3A = arith.constant dense<0.000000e+00> : vector<2528xf32>
    %reduce_sum3A_22 = vector.multi_reduction <add>, %squeeze3A, %reduce_sum3A [1] : vector<2528x128xf32> to vector<2528xf32>
    %broadcast_in_dim3A_23 = vector.shape_cast %reduce_sum3A_22 : vector<2528xf32> to vector<2528x1xf32>
    %div3A = arith.constant 1.280000e+02 : f32
    %div3A_24 = vector.broadcast %div3A : f32 to vector<2528x1xf32>
    %div3A_25 = arith.divf %broadcast_in_dim3A_23, %div3A_24 : vector<2528x1xf32>
    %sub3A = vector.broadcast %div3A_25 : vector<2528x1xf32> to vector<2528x128xf32>
    %sub3A_26 = arith.subf %squeeze3A, %sub3A : vector<2528x128xf32>
    %mul3A_27 = arith.mulf %sub3A_26, %sub3A_26 : vector<2528x128xf32>
    %reduce_sum3A_28 = arith.constant dense<0.000000e+00> : vector<2528xf32>
    %reduce_sum3A_29 = vector.multi_reduction <add>, %mul3A_27, %reduce_sum3A_28 [1] : vector<2528x128xf32> to vector<2528xf32>
    %broadcast_in_dim3A_30 = vector.shape_cast %reduce_sum3A_29 : vector<2528xf32> to vector<2528x1xf32>
    %div3A_31 = arith.constant 1.280000e+02 : f32
    %div3A_32 = vector.broadcast %div3A_31 : f32 to vector<2528x1xf32>
    %div3A_33 = arith.divf %broadcast_in_dim3A_30, %div3A_32 : vector<2528x1xf32>
    %add3A_34 = arith.constant 9.99999974E-6 : f32
    %add3A_35 = vector.broadcast %add3A_34 : f32 to vector<2528x1xf32>
    %add3A_36 = arith.addf %div3A_33, %add3A_35 : vector<2528x1xf32>
    %rsqrt3A = math.rsqrt %add3A_36 : vector<2528x1xf32>
    %mul3A_37 = vector.broadcast %rsqrt3A : vector<2528x1xf32> to vector<2528x128xf32>
    %mul3A_38 = arith.mulf %sub3A_26, %mul3A_37 : vector<2528x128xf32>
    %get3A_39 = arith.constant 0 : index
    %get3A_40 = arith.constant 0 : index
    %get3A_41 = vector.load %arg6[%get3A_39, %get3A_40] : memref<2x128xf32, #tpu.memory_space<vmem>>, vector<1x128xf32>
    %mul3A_42 = vector.broadcast %get3A_41 : vector<1x128xf32> to vector<2528x128xf32>
    %mul3A_43 = arith.mulf %mul3A_38, %mul3A_42 : vector<2528x128xf32>
    %get3A_44 = arith.constant 0 : index
    %get3A_45 = arith.constant 0 : index
    %get3A_46 = vector.load %arg7[%get3A_44, %get3A_45] : memref<2x128xf32, #tpu.memory_space<vmem>>, vector<1x128xf32>
    %add3A_47 = vector.broadcast %get3A_46 : vector<1x128xf32> to vector<2528x128xf32>
    %add3A_48 = arith.addf %mul3A_43, %add3A_47 : vector<2528x128xf32>
    %get3A_49 = arith.constant 0 : index
    %get3A_50 = arith.constant 0 : index
    %get3A_51 = arith.constant 0 : index
    %get3A_52 = vector.load %arg5[%get3A_49, %get3A_50, %get3A_51] : memref<128x2x128xf32, #tpu.memory_space<vmem>>, vector<128x1x128xf32>
    %get3A_53 = vector.shape_cast %get3A_52 : vector<128x1x128xf32> to vector<128x128xf32>
    %dot_general3A = arith.constant dense<0.000000e+00> : vector<2528x128xf32>
    %dot_general3A_54 = tpu.matmul %add3A_48, %get3A_53, %dot_general3A {dimension_numbers = #tpu.dot_dimension_numbers<[1], [0], [0], [1], [0, 0, 1, 1], [], []>, transpose_lhs_hint = false} : vector<2528x128xf32>, vector<128x128xf32>, vector<2528x128xf32> -> vector<2528x128xf32>
    %add3A_55 = arith.addf %broadcast_in_dim3A_21, %dot_general3A_54 : vector<2528x128xf32>
    %reduce_sum3A_56 = arith.constant dense<0.000000e+00> : vector<2528xf32>
    %reduce_sum3A_57 = vector.multi_reduction <add>, %add3A_20, %reduce_sum3A_56 [1] : vector<2528x128xf32> to vector<2528xf32>
    %broadcast_in_dim3A_58 = vector.shape_cast %reduce_sum3A_57 : vector<2528xf32> to vector<2528x1xf32>
    %div3A_59 = arith.constant 1.280000e+02 : f32
    %div3A_60 = vector.broadcast %div3A_59 : f32 to vector<2528x1xf32>
    %div3A_61 = arith.divf %broadcast_in_dim3A_58, %div3A_60 : vector<2528x1xf32>
    %sub3A_62 = vector.broadcast %div3A_61 : vector<2528x1xf32> to vector<2528x128xf32>
    %sub3A_63 = arith.subf %add3A_20, %sub3A_62 : vector<2528x128xf32>
    %mul3A_64 = arith.mulf %sub3A_63, %sub3A_63 : vector<2528x128xf32>
    %reduce_sum3A_65 = arith.constant dense<0.000000e+00> : vector<2528xf32>
    %reduce_sum3A_66 = vector.multi_reduction <add>, %mul3A_64, %reduce_sum3A_65 [1] : vector<2528x128xf32> to vector<2528xf32>
    %broadcast_in_dim3A_67 = vector.shape_cast %reduce_sum3A_66 : vector<2528xf32> to vector<2528x1xf32>
    %div3A_68 = arith.constant 1.280000e+02 : f32
    %div3A_69 = vector.broadcast %div3A_68 : f32 to vector<2528x1xf32>
    %div3A_70 = arith.divf %broadcast_in_dim3A_67, %div3A_69 : vector<2528x1xf32>
    %add3A_71 = arith.constant 9.99999974E-6 : f32
    %add3A_72 = vector.broadcast %add3A_71 : f32 to vector<2528x1xf32>
    %add3A_73 = arith.addf %div3A_70, %add3A_72 : vector<2528x1xf32>
    %rsqrt3A_74 = math.rsqrt %add3A_73 : vector<2528x1xf32>
    %mul3A_75 = vector.broadcast %rsqrt3A_74 : vector<2528x1xf32> to vector<2528x128xf32>
    %mul3A_76 = arith.mulf %sub3A_63, %mul3A_75 : vector<2528x128xf32>
    %get3A_77 = arith.constant 1 : index
    %get3A_78 = arith.constant 0 : index
    %get3A_79 = vector.load %arg6[%get3A_77, %get3A_78] : memref<2x128xf32, #tpu.memory_space<vmem>>, vector<1x128xf32>
    %mul3A_80 = vector.broadcast %get3A_79 : vector<1x128xf32> to vector<2528x128xf32>
    %mul3A_81 = arith.mulf %mul3A_76, %mul3A_80 : vector<2528x128xf32>
    %get3A_82 = arith.constant 1 : index
    %get3A_83 = arith.constant 0 : index
    %get3A_84 = vector.load %arg7[%get3A_82, %get3A_83] : memref<2x128xf32, #tpu.memory_space<vmem>>, vector<1x128xf32>
    %add3A_85 = vector.broadcast %get3A_84 : vector<1x128xf32> to vector<2528x128xf32>
    %add3A_86 = arith.addf %mul3A_81, %add3A_85 : vector<2528x128xf32>
    %get3A_87 = arith.constant 0 : index
    %get3A_88 = arith.constant 1 : index
    %get3A_89 = arith.constant 0 : index
    %get3A_90 = vector.load %arg5[%get3A_87, %get3A_88, %get3A_89] : memref<128x2x128xf32, #tpu.memory_space<vmem>>, vector<128x1x128xf32>
    %get3A_91 = vector.shape_cast %get3A_90 : vector<128x1x128xf32> to vector<128x128xf32>
    %dot_general3A_92 = arith.constant dense<0.000000e+00> : vector<2528x128xf32>
    %dot_general3A_93 = tpu.matmul %add3A_86, %get3A_91, %dot_general3A_92 {dimension_numbers = #tpu.dot_dimension_numbers<[1], [0], [0], [1], [0, 0, 1, 1], [], []>, transpose_lhs_hint = false} : vector<2528x128xf32>, vector<128x128xf32>, vector<2528x128xf32> -> vector<2528x128xf32>
    %add3A_94 = arith.addf %add3A_55, %dot_general3A_93 : vector<2528x128xf32>
    %get3A_95 = arith.constant 0 : index
    %get3A_96 = arith.constant 0 : index
    %get3A_97 = vector.load %arg2[%get3A_95, %get3A_96] : memref<2528x128xf32, #tpu.memory_space<vmem>>, vector<2528x128xf32>
    %get3A_98 = arith.constant 0 : index
    %get3A_99 = arith.constant 0 : index
    %get3A_100 = vector.load %arg3[%get3A_98, %get3A_99] : memref<128x128xf32, #tpu.memory_space<vmem>>, vector<128x128xf32>
    %dot_general3A_101 = arith.constant dense<0.000000e+00> : vector<2528x128xf32>
    %dot_general3A_102 = tpu.matmul %get3A_97, %get3A_100, %dot_general3A_101 {dimension_numbers = #tpu.dot_dimension_numbers<[1], [1], [0], [0], [0, 0, 1, 0], [], []>, transpose_lhs_hint = false} : vector<2528x128xf32>, vector<128x128xf32>, vector<2528x128xf32> -> vector<2528x128xf32>
    %get3A_103 = arith.constant 0 : index
    %get3A_104 = arith.constant 0 : index
    %get3A_105 = vector.load %arg4[%get3A_103, %get3A_104] : memref<1x128xf32, #tpu.memory_space<vmem>>, vector<1x128xf32>
    %add3A_106 = vector.broadcast %get3A_105 : vector<1x128xf32> to vector<2528x128xf32>
    %add3A_107 = arith.addf %dot_general3A_102, %add3A_106 : vector<2528x128xf32>
    %add3A_108 = arith.addf %add3A_94, %add3A_107 : vector<2528x128xf32>
    %swap3A = arith.constant 0 : index
    %swap3A_109 = arith.constant 0 : index
    %swap3A_110 = vector.load %arg8[%swap3A, %swap3A_109] : memref<2528x128xf32, #tpu.memory_space<vmem>>, vector<2528x128xf32>
    tpu.vector_store %arg8[%swap3A, %swap3A_109], %add3A_108 {strides = array<i32>} : memref<2528x128xf32, #tpu.memory_space<vmem>>, vector<2528x128xf32>,
    return
  }
  func.func @transform_0(%arg0: i32) -> (i32, i32, i32, i32) {
    %c0_i32 = arith.constant 0 : i32
    %c0_i32_0 = arith.constant 0 : i32
    %c0_i32_1 = arith.constant 0 : i32
    %c0_i32_2 = arith.constant 0 : i32
    return %c0_i32, %c0_i32_0, %arg0, %c0_i32_1 : i32, i32, i32, i32
  }
  func.func @transform_1(%arg0: i32) -> (i32, i32) {
    %c0_i32 = arith.constant 0 : i32
    %c0_i32_0 = arith.constant 0 : i32
    return %arg0, %c0_i32 : i32, i32
  }
  func.func @transform_2(%arg0: i32) -> (i32, i32) {
    %c0_i32 = arith.constant 0 : i32
    %c0_i32_0 = arith.constant 0 : i32
    %c0_i32_1 = arith.constant 0 : i32
    return %c0_i32, %c0_i32_0 : i32, i32
  }
  func.func @transform_3(%arg0: i32) -> (i32, i32) {
    %c0_i32 = arith.constant 0 : i32
    %c0_i32_0 = arith.constant 0 : i32
    %c0_i32_1 = arith.constant 0 : i32
    return %c0_i32, %c0_i32_0 : i32, i32
  }
  func.func @transform_4(%arg0: i32) -> (i32, i32, i32) {
    %c0_i32 = arith.constant 0 : i32
    %c0_i32_0 = arith.constant 0 : i32
    %c0_i32_1 = arith.constant 0 : i32
    %c0_i32_2 = arith.constant 0 : i32
    return %c0_i32, %c0_i32_0, %c0_i32_1 : i32, i32, i32
  }
  func.func @transform_5(%arg0: i32) -> (i32, i32) {
    %c0_i32 = arith.constant 0 : i32
    %c0_i32_0 = arith.constant 0 : i32
    %c0_i32_1 = arith.constant 0 : i32
    return %c0_i32, %c0_i32_0 : i32, i32
  }
  func.func @transform_6(%arg0: i32) -> (i32, i32) {
    %c0_i32 = arith.constant 0 : i32
    %c0_i32_0 = arith.constant 0 : i32
    %c0_i32_1 = arith.constant 0 : i32
    return %c0_i32, %c0_i32_0 : i32, i32
  }
  func.func @transform_7(%arg0: i32) -> (i32, i32) {
    %c0_i32 = arith.constant 0 : i32
    %c0_i32_0 = arith.constant 0 : i32
    return %arg0, %c0_i32 : i32, i32
  }
}

</mosaic_0001>

<sc_bundles>
// kernel: kernel.6.cloned.1.call-start
scs
__scs_entry_jumppad:
0x0: {  	(pc) =	sbr.rel $0x88, $3  }
0x1: {  	(tag) =	ssettag $0x0;
	lr =	simm.s32 $0x1  }
0x2: {  	[smem:$0x3F94] =	sst lr;
	_ =	strace $0xD0000000  }
0x3: {  	_ = 	snop  }
0x4: {  	_ = 	snop  }
0x5: {  	_ = 	snop  }
0x6: {  	_ = 	snop  }
0x7: {  	_ = 	snop  }
__scs_overlays_trampoline_lowered:
0x8: {  	[smem:$0x3FA3] =	sst s0  }
0x9: {  	[smem:$0x3FA4] =	sst s1  }
0xa: {  	[smem:$0x3FA5] =	sst s2  }
0xb: {  	[smem:$0x3FA6] =	sst s3  }
0xc: {  	[smem:$0x3FA7] =	sst s4  }
0xd: {  	[smem:$0x3FA8] =	sst s5  }
0xe: {  	[smem:$0x3FA9] =	sst s6  }
0xf: {  	[smem:$0x3FAA] =	sst s7  }
0x10: {  	[smem:$0x3FAB] =	sst s8  }
0x11: {  	[smem:$0x3FAC] =	sst s9;
	s0 =	simm.s32 @!p0 $0x0  }
0x12: {  	s1 =	sld [smem:$0x3F92];
	s0 =	simm.s32 @p0 $0x1  }
0x13: {  	[smem:$0x3FAD] =	sst s0;
	s0 =	simm.s32 @!p1 $0x0  }
0x14: {  	s2 =	sld [smem:$0x3F91];
	s0 =	simm.s32 @p1 $0x1  }
0x15: {  	[smem:$0x3FAE] =	sst s0;
	s0 =	simm.s32 @!p2 $0x0  }
0x16: {  	s3 =	sld [smem:$0x3FDB];
	s0 =	simm.s32 @p2 $0x1  }
0x17: {  	s4 =	simm.s32 $0x1BF5;
	[smem:$0x3FB0] =	sst s0  }
0x18: {  	s0 =	sld [smem:$0x3F93];
	_ =	swait.ge [sflag:s4], $0x0  }
0x19: {  	s7 =	sld [smem:$0x3F94]  }
0x1a: {  	s8 =	sadd.s32 $0xFFFFE003, lr  }
0x1b: {  	s9 =	sadd.s32 $0xFFFFFEF7, lr;
	s5 =	simm.s32 $0xFFFFFFFF;
	p2 =	slt.u32 s8, $0xFFFFF086  }
0x1c: {  	p1 =	slt.u32 s9, $0xF7A;
	s5 =	simm.s32 @!p2 $0x0  }
0x1d: {  	s5 =	simm.s32 @p1 $0x1;
	p0 =	seq.s32 s7, s2  }
0x1e: {  	s7 =	smul.u32 @!p0 $0xF7A, s2;
	p2 =	seq.s32 @!p0 s5, $0x0  }
0x1f: {  	s9 =	smul.u32 $0xF7A, s1;
	s8 =	simm.s32 @!p0 $0x1BF5;
	p2 =	por !p2, p0  }
0x20: {  	[sflag:s8] =	ssyncset.s32 @!p0 $0xFFFFF086;
	s6 =	sadd.s32 @!p0 s3, s7;
	s7 =	simm.s32 @!p0 $0x108  }
0x21: {  	s3 =	sadd.s32 s3, s9;
	s6 =	sadd.s32 @!p0 $0x88, s6;
	s7 =	simm.s32 @p2 $0x1082  }
0x22: {  	[simem:s7], [sflag:s8] =	dma.local @!p0 [hbm:s6], $0xF7A  }
0x23: {  	s9 =	sor.u32 $0xD0000000, s2;
	s6 =	simm.s32 $0x108;
	_ =	swait.ge @!p0 [sflag:s8], $0x0  }
0x24: {  	s3 =	sadd.s32 $0x88, s3;
	s6 =	simm.s32 @!p1 $0x1082;
	[sflag:s4] =	ssyncset.s32 $0xFFFFF086  }
0x25: {  	[simem:s6], [sflag:s4] =	dma.local [hbm:s3], $0xF7A  }
0x26: {  	[smem:$0x3F94] =	sst s1;
	(tag) =	ssettag s2;
	_ =	strace s9  }
0x27: {  	s1 =	sld [smem:$0x3FA4]  }
0x28: {  	s2 =	sld [smem:$0x3FA5]  }
0x29: {  	s4 =	sld [smem:$0x3FA7]  }
0x2a: {  	p0 =	seq.s32 s5, $0x0;
	s5 =	sld [smem:$0x3FA8]  }
0x2b: {  	s6 =	sld [smem:$0x3FA9]  }
0x2c: {  	s7 =	sld [smem:$0x3FAA]  }
0x2d: {  	s3 =	simm.s32 $0x108;
	s8 =	sld [smem:$0x3FAB]  }
0x2e: {  	s3 =	simm.s32 @!p0 $0x1082;
	s9 =	sld [smem:$0x3FAC]  }
0x2f: {  	lr =	sadd.s32 s0, s3;
	s0 =	sld [smem:$0x3FA3]  }
0x30: {  	s3 =	sld [smem:$0x3FA6]  }
0x31: {  	[smem:$0x3FAF] =	sst s10  }
0x32: {  	s10 =	sld [smem:$0x3FAD];
	_ =	sdelay $0x3  }
0x33: {  	p0 =	seq.s32 s10, $0x1;
	s10 =	sld [smem:$0x3FAF];
	_ =	sdelay $0x3  }
0x34: {  	[smem:$0x3FAF] =	sst s10  }
0x35: {  	s10 =	sld [smem:$0x3FAE];
	_ =	sdelay $0x3  }
0x36: {  	p1 =	seq.s32 s10, $0x1;
	s10 =	sld [smem:$0x3FAF];
	_ =	sdelay $0x3  }
0x37: {  	[smem:$0x3FAF] =	sst s10  }
0x38: {  	s10 =	sld [smem:$0x3FB0]  }
0x39: {  	_ = 	snop;
	(pc) =	sbr.ind lr, $3  }
0x3a: {  	_ = 	snop  }
0x3b: {  	_ = 	snop  }
0x3c: {  	p2 =	seq.s32 s10, $0x1;
	s10 =	sld [smem:$0x3FAF]  }
0x3d: {  	_ =	shalt  }
0x3e: {  	_ =	shalt  }
0x3f: {  	_ =	shalt  }
0x40: {  	_ =	shalt  }
0x41: {  	_ =	shalt  }
0x42: {  	_ =	shalt  }
0x43: {  	_ =	shalt  }
0x44: {  	_ =	shalt  }
0x45: {  	_ =	shalt  }
0x46: {  	_ =	shalt  }
0x47: {  	_ =	shalt  }
0x48: {  	_ =	shalt  }
0x49: {  	_ =	shalt  }
0x4a: {  	_ =	shalt  }
0x4b: {  	_ =	shalt  }
0x4c: {  	_ =	shalt  }
0x4d: {  	_ =	shalt  }
0x4e: {  	_ =	shalt  }
0x4f: {  	_ =	shalt  }
0x50: {  	_ =	shalt  }
0x51: {  	_ =	shalt  }
0x52: {  	_ =	shalt  }
0x53: {  	_ =	shalt  }
0x54: {  	_ =	shalt  }
0x55: {  	_ =	shalt  }
0x56: {  	_ =	shalt  }
0x57: {  	_ =	shalt  }
0x58: {  	_ =	shalt  }
0x59: {  	_ =	shalt  }
0x5a: {  	_ =	shalt  }
0x5b: {  	_ =	shalt  }
0x5c: {  	_ =	shalt  }
0x5d: {  	_ =	shalt  }
0x5e: {  	_ =	shalt  }
0x5f: {  	_ =	shalt  }
0x60: {  	_ =	shalt  }
0x61: {  	_ =	shalt  }
0x62: {  	_ =	shalt  }
0x63: {  	_ =	shalt  }
0x64: {  	_ =	shalt  }
0x65: {  	_ =	shalt  }
0x66: {  	_ =	shalt  }
0x67: {  	_ =	shalt  }
0x68: {  	_ =	shalt  }
0x69: {  	_ =	shalt  }
0x6a: {  	_ =	shalt  }
0x6b: {  	_ =	shalt  }
0x6c: {  	_ =	shalt  }
0x6d: {  	_ =	shalt  }
0x6e: {  	_ =	shalt  }
0x6f: {  	_ =	shalt  }
0x70: {  	_ =	shalt  }
0x71: {  	_ =	shalt  }
0x72: {  	_ =	shalt  }
0x73: {  	_ =	shalt  }
0x74: {  	_ =	shalt  }
0x75: {  	_ =	shalt  }
0x76: {  	_ =	shalt  }
0x77: {  	_ =	shalt  }
0x78: {  	_ =	shalt  }
0x79: {  	_ =	shalt  }
0x7a: {  	_ =	shalt  }
0x7b: {  	_ =	shalt  }
0x7c: {  	_ =	shalt  }
0x7d: {  	_ =	shalt  }
0x7e: {  	_ =	shalt  }
0x7f: {  	_ =	shalt  }
0x80: {  	_ =	shalt  }
0x81: {  	_ =	shalt  }
0x82: {  	_ =	shalt  }
0x83: {  	_ =	shalt  }
0x84: {  	_ =	shalt  }
0x85: {  	_ =	shalt  }
0x86: {  	_ =	shalt  }
0x87: {  	_ =	shalt  }
.Lfunc_end0:
.L_simem_size_0:
called_computation_lowered:
.L_overlay_start_0:
0x88: {  	s2 =	sld [smem:$0x3FD9]  }
0x89: {  	s3 =	sld [smem:$0x3FFE];
	_ =	sdelay $0x1  }
0x8a: {  	s1 =	srdreg.scid  }
0x8b: {  	s0 =	sand.u32 $0x1, s1  }
0x8c: {  	s17 =	sshll.u32 s0, $0xA;
	s2 =	sadd.s32 s3, s2  }
0x8d: {  	s2 =	sadd.s32 s2, s17  }
0x8e: {  	[smem:$0x3FBB] =	sst s2  }
0x8f: {  	_ = 	snop  }
0x90: {  	s2 =	sld [smem:$0x3FC9]  }
0x91: {  	s18 =	sld [smem:$0x3FC7];
	(tm) =	ssettm $0x1  }
0x92: {  	s4 =	sld [smem:$0x3FFB];
	_ =	sdelay $0x3  }
0x93: {  	_ =	strace s4  }
0x94: {  	s4 =	sld [smem:$0x3FFC];
	_ =	sdelay $0x3  }
0x95: {  	_ =	strace s4  }
0x96: {  	s4 =	sld [smem:$0x3FFD];
	_ =	sdelay $0x3  }
0x97: {  	_ =	strace s4  }
0x98: {  	_ =	strace $0x8FFFFFFF  }
0x99: {  	s19 =	sld [smem:$0x3FDB];
	_ =	sdelay $0x1  }
0x9a: {  	s5 =	simm.s32 $_scs_section_size  }
0x9b: {  	s6 =	simm.s32 $_size__tile_overlayer_lowered;
	s7 =	simm.s32 $_tile_overlayer_lowered  }
0x9c: {  	s22 =	simm.s32 $0x1BFF;
	s21 =	sshll.u32 s7, $0x1;
	s4 =	sadd.s32 s5, s19  }
0x9d: {  	s8 =	simm.s32 $0x0;
	s20 =	sshll.u32 s6, $0x1;
	s6 =	sadd.s32 s21, s4  }
0x9e: {  	[timem:s8], [sflag:s22] =	dma.local [hbm:s6], s20  }
0x9f: {  	_ =	swait.ge [sflag:s22], s20  }
0xa0: {  	s5 =	ssub.s32 $0x0, s20;
	[sflag:s22] =	ssyncset.done $0x0  }
0xa1: {  	[sflag:s22] =	ssyncadd.s32 s5;
	_ =	sdelay $0x1  }
0xa2: {  	s23 =	simm.s32 $0x1B8B  }
0xa3: {  	_ =	swait.ge [sflag:s23], $0x1  }
0xa4: {  	[sflag:s23] =	ssyncset.done $0x0  }
0xa5: {  	s25 =	simm.s32 $0x1B8E;
	s24 =	sld [smem:$0x3FFE];
	[sflag:s23] =	ssyncadd.s32 $0xFFFFFFFF  }
0xa6: {  	s26 =	simm.s32 $execute0_lowered;
	[smem:$0x3FD2] =	sst s25  }
0xa7: {  	s6 =	sshll.u32 s26, $0x1;
	_ =	strace $0x80000046;
	[dreg:$0x1] =	wrdreg $0xFFFFFFFF  }
0xa8: {  	s28 =	simm.s32 $_size_execute0_lowered;
	s4 =	sadd.s32 s4, s6;
	[dreg:$0x0] =	wrdreg $0x0  }
0xa9: {  	s6 =	sshll.u32 s28, $0x1;
	[dreg:$0x2] =	wrdreg s4  }
0xaa: {  	[dreg:$0x3] =	wrdreg s6  }
0xab: {  	[dreg:$0x4] =	wrdreg $0xC0  }
0xac: {  	_ =	task [dreg:s8], $0x5FFFF  }
0xad: {  	[dreg:$0x1] =	wrdreg $0xFFFFFFFF  }
0xae: {  	[dreg:$0x0] =	wrdreg $0x60  }
0xaf: {  	[dreg:$0x2] =	wrdreg s2  }
0xb0: {  	[dreg:$0x3] =	wrdreg s18  }
0xb1: {  	[dreg:$0x4] =	wrdreg s24  }
0xb2: {  	[dreg:$0x5] =	wrdreg $0x9  }
0xb3: {  	_ =	task.clear_ibuf [dreg:s8], $0x6FFFF;
	_ =	strace $0x90000046  }
0xb4: {  	s29 =	simm.s32 $0x9;
	_ =	strace $0x80000048  }
0xb5: {  	_ =	swait.ge [sflag:s29], $0x1  }
0xb6: {  	[sflag:s29] =	ssyncadd.s32 $0xFFFFFFFF  }
0xb7: {  	_ =	strace $0x90000048  }
0xb8: {  	_ =	sfence  }
0xb9: {  	s30 =	sld [smem:$0x0];
	_ =	sdelay $0x2  }
0xba: {  	s31 =	sshll.u32 s1, $0xD;
	s1 =	sshrl.u32 s1, $0x2  }
0xbb: {  	s3 =	sand.u32 $0x4000, s31;
	s1 =	sadd.s32 s1, s30  }
0xbc: {  	s0 =	sor.u32 s3, s0;
	s1 =	sshll.u32 s1, $0x11  }
0xbd: {  	s0 =	sor.u32 s1, s0  }
0xbe: {  	s0 =	sadd.s32 $0x8F2B, s0  }
0xbf: {  	[sflag:s0] =	ssyncadd.remote.s32 $0x1  }
0xc0: {  	_ =	sfence.sel $0xFFFF  }
0xc1: {  	[dreg:$0x0] =	wrdreg $0xFFFFFFFF;
	(pc) =	sbr.abs _section_cstart, $3  }
0xc2: {  	[dreg:$0x1] =	wrdreg $0xFFFFFFFF  }
0xc3: {  	_ =	task.clear_ibuf [dreg:s8], $0x2FFFF;
	_ =	strace $0x9FFFFFFF  }
0xc4: {  	(tm) =	ssettm $0x7FFFFFFF  }
0xc5: {  	_ =	shalt  }
tec
execute0_lowered:
.L_overlay_start_1:
0x0: {  	(tag) =	ssettag $0x1  }
0x1: {  	s1 =	rddreg [dreg:$0x0]  }
0x2: {  	s4 =	rddreg [dreg:$0x1]  }
0x3: {  	s5 =	rddreg [dreg:$0x2]  }
0x4: {  	s0 =	rddreg [dreg:$0x3];
	s6 =	srdreg.scid  }
0x5: {  	s2 =	stileid.u32;
	s3 =	simm.s32 $0x0;
	s12 =	simm.s32 $0x1  }
0x6: {  	s13 =	simm.s32 $0x2;
	s6 =	sand.u32 $0x1, s6;
	s7 =	sshll.u32 s2, $0x1  }
0x7: {  	s14 =	simm.s32 $0x0;
	s30 =	smul.u32 $0x27100, s2;
	s7 =	sor.u32 s6, s7  }
0x8: {  	[smem:$0x7FF] =	sst s3;
	s10 =	sadd.s32 $0x2200, s5;
	s9 =	smul.u32 $0x9C400, s7  }
0x9: {  	_ =	strace $0x80000047;
	s8 =	ssub.s32 $0x2, s6;
	s7 =	smul.u32 $0x1388, s7  }
0xa: {  	s11 =	smul.u32 $0x13880, s6;
	s28 =	sshrl.u32 s8, $0x1;
	s31 =	sadd.s32 s30, s10  }
0xb: {  	s8 =	ssub.s32 s8, s28;
	s29 =	sshrl.u32 s9, $0x3;
	s7 =	sshrl.u32 s7, $0x3  }
0xc: {  	s6 =	smax.u32 s8, $0x1;
	s8 =	simm.s32 $0x3;
	s9 =	simm.s32 $0xC8  }
0xd: {  	s5 =	sadd.s32 s10, s29;
	s4 =	sadd.s32 s4, s7;
	s7 =	sadd.s32 s11, s31  }
0xe: {  	s10 =	simm.s32 $0x1400;
	s11 =	simm.s32 $0x7800;
	s5 =	sadd.s32 $0x12C00, s5  }
.LBB2_1:
0xf: {  	[tilespmem:s3], [sflag:$0x3] =	stream.linear.gather [hbm4b:s4+s3], $0x1388, $0x38;
	[tilespmem:$0xDC00] =	vst v63  }
0x10: {  	_ =	swait.ge [sflag:s8], $0x1388  }
0x11: {  	[sflag:s8] =	ssyncset.done $0x0  }
0x12: {  	[sflag:s8] =	ssyncadd.s32 $0xFFFFEC78  }
0x13: {  	[tilespmem:s10], [sflag:$0x1] =	stream.indirect.gather [hbm4b:s1+s9], $0x80, s3, s9, $0xb8;
	[tilespmem:$0xDC00] =	vst v63  }
0x14: {  	s15 =	simm.s32 $0xC8  }
0x15: {  	[tilespmem:s11], [sflag:$0x2] =	stream.indirect.gather [hbm4b:s1+s9], $0x80, s15, s9, $0xb8;
	[tilespmem:$0xDC00] =	vst v63  }
0x16: {  	_ =	swait.ge [sflag:s12], $0x6400  }
0x17: {  	[sflag:s12] =	ssyncset.done $0x0  }
0x18: {  	s31 =	sadd.s32 $0x0, s7;
	[sflag:s12] =	ssyncadd.s32 $0xFFFF9C00  }
0x19: {  	[hbm4b:s31+s3] =	stream.linear.scatter [tilespmem:s10], [sflag:$0x3], $0x6400, $0x38;
	[tilespmem:$0xDC00] =	vst v63  }
0x1a: {  	_ =	swait.ge [sflag:s8], $0x6400  }
0x1b: {  	[sflag:s8] =	ssyncset.done $0x0  }
0x1c: {  	s16 =	simm.s32 $0x190;
	[sflag:s8] =	ssyncadd.s32 $0xFFFF9C00  }
0x1d: {  	[tilespmem:s10], [sflag:$0x1] =	stream.indirect.gather [hbm4b:s1+s9], $0x80, s16, s9, $0xb8;
	[tilespmem:$0xDC00] =	vst v63  }
0x1e: {  	_ =	swait.ge [sflag:s13], $0x6400  }
0x1f: {  	[sflag:s13] =	ssyncset.done $0x0  }
0x20: {  	s15 =	sadd.s32 $0xC80, s31;
	[sflag:s13] =	ssyncadd.s32 $0xFFFF9C00  }
0x21: {  	[hbm4b:s15+s3] =	stream.linear.scatter [tilespmem:s11], [sflag:$0x3], $0x6400, $0x38;
	[tilespmem:$0xDC00] =	vst v63  }
0x22: {  	s17 =	simm.s32 $0x3200;
	_ =	swait.ge [sflag:s8], $0x6400  }
0x23: {  	s16 =	simm.s32 $0x1900;
	s15 =	simm.s32 $0x320;
	[sflag:s8] =	ssyncset.done $0x0  }
.LBB2_2:
0x24: {  	p0 =	sne.s32 s17, $0x11300;
	s18 =	sadd.s32 $0xFFFFFF38, s15;
	[sflag:s8] =	ssyncadd.s32 $0xFFFF9C00  }
0x25: {  	[tilespmem:s11], [sflag:$0x2] =	stream.indirect.gather [hbm4b:s1+s9], $0x80, s18, s9, $0xb8;
	[tilespmem:$0xDC00] =	vst v63  }
0x26: {  	s18 =	smov.u32 s17;
	s17 =	sadd.s32 $0x1900, s17;
	_ =	swait.ge [sflag:s12], $0x6400  }
0x27: {  	[sflag:s12] =	ssyncset.done $0x0  }
0x28: {  	s19 =	sadd.s32 s16, s7;
	s16 =	smov.u32 s18;
	[sflag:s12] =	ssyncadd.s32 $0xFFFF9C00  }
0x29: {  	[hbm4b:s19+s3] =	stream.linear.scatter [tilespmem:s10], [sflag:$0x3], $0x6400, $0x38;
	[tilespmem:$0xDC00] =	vst v63  }
0x2a: {  	_ =	swait.ge [sflag:s8], $0x6400  }
0x2b: {  	[sflag:s8] =	ssyncset.done $0x0  }
0x2c: {  	[sflag:s8] =	ssyncadd.s32 $0xFFFF9C00  }
0x2d: {  	[tilespmem:s10], [sflag:$0x1] =	stream.indirect.gather [hbm4b:s1+s9], $0x80, s15, s9, $0xb8;
	[tilespmem:$0xDC00] =	vst v63  }
0x2e: {  	_ =	swait.ge [sflag:s13], $0x6400  }
.Ltmp0:
0x2f: {  	[sflag:s13] =	ssyncset.done $0x0;
	(pc) =	sbr.rel @p0 .LBB2_2-.Ltmp0, $4  }
0x30: {  	s18 =	sadd.s32 $0xC80, s19;
	[sflag:s13] =	ssyncadd.s32 $0xFFFF9C00  }
0x31: {  	[hbm4b:s18+s3] =	stream.linear.scatter [tilespmem:s11], [sflag:$0x3], $0x6400, $0x38;
	[tilespmem:$0xDC00] =	vst v63  }
0x32: {  	_ =	swait.ge [sflag:s8], $0x6400  }
0x33: {  	s15 =	sadd.s32 $0x190, s15;
	[sflag:s8] =	ssyncset.done $0x0  }
0x34: {  	s17 =	sadd.s32 $0xFFFFFF38, s15;
	[sflag:s8] =	ssyncadd.s32 $0xFFFF9C00  }
0x35: {  	[tilespmem:s11], [sflag:$0x2] =	stream.indirect.gather [hbm4b:s1+s9], $0x80, s17, s9, $0xb8;
	[tilespmem:$0xDC00] =	vst v63  }
0x36: {  	_ =	swait.ge [sflag:s12], $0x6400  }
0x37: {  	[sflag:s12] =	ssyncset.done $0x0  }
0x38: {  	s16 =	sadd.s32 s16, s7;
	[sflag:s12] =	ssyncadd.s32 $0xFFFF9C00  }
0x39: {  	[hbm4b:s16+s3] =	stream.linear.scatter [tilespmem:s10], [sflag:$0x3], $0x6400, $0x38;
	[tilespmem:$0xDC00] =	vst v63  }
0x3a: {  	_ =	swait.ge [sflag:s8], $0x6400  }
0x3b: {  	[sflag:s8] =	ssyncset.done $0x0  }
0x3c: {  	[sflag:s8] =	ssyncadd.s32 $0xFFFF9C00  }
0x3d: {  	[tilespmem:s10], [sflag:$0x1] =	stream.indirect.gather [hbm4b:s1+s9], $0x80, s15, s9, $0xb8;
	[tilespmem:$0xDC00] =	vst v63  }
0x3e: {  	_ =	swait.ge [sflag:s13], $0x6400  }
0x3f: {  	[sflag:s13] =	ssyncset.done $0x0  }
0x40: {  	s31 =	sadd.s32 $0xC80, s16;
	[sflag:s13] =	ssyncadd.s32 $0xFFFF9C00  }
0x41: {  	[hbm4b:s31+s3] =	stream.linear.scatter [tilespmem:s11], [sflag:$0x3], $0x6400, $0x38;
	[tilespmem:$0xDC00] =	vst v63  }
0x42: {  	_ =	swait.ge [sflag:s8], $0x6400  }
0x43: {  	[sflag:s8] =	ssyncset.done $0x0  }
0x44: {  	[sflag:s8] =	ssyncadd.s32 $0xFFFF9C00  }
0x45: {  	s14 =	sadd.s32 $0x1, s14;
	_ =	swait.ge [sflag:s12], $0x6400  }
0x46: {  	p0 =	sne.s32 s14, s6;
	[sflag:s12] =	ssyncset.done $0x0  }
.Ltmp1:
0x47: {  	[sflag:s12] =	ssyncadd.s32 $0xFFFF9C00;
	(pc) =	sbr.rel @p0 .LBB2_1-.Ltmp1, $4  }
0x48: {  	[hbm4b:s5+s3] =	stream.linear.scatter [tilespmem:s10], [sflag:$0x3], $0x6400, $0x38;
	[tilespmem:$0xDC00] =	vst v63  }
0x49: {  	_ =	swait.ge [sflag:s8], $0x6400  }
0x4a: {  	[sflag:s8] =	ssyncset.done $0x0  }
0x4b: {  	[sflag:s8] =	ssyncadd.s32 $0xFFFF9C00  }
0x4c: {  	_ =	sfence.sel $0x180000  }
0x4d: {  	[bflag:$0x0] =	sbarrier.arrive $0xFFFF  }
0x4e: {  	p0 =	sne.s32 s2, $0x0;
	_ =	strace $0x90000047  }
0x4f: {  	s0 =	sadd.s32 @!p0 $0x100000, s0;
	[bflag:$0x2] =	sbarrier.arrive $0xFFFF  }
0x50: {  	[sflag:s0] =	ssyncadd.tile.s32 @!p0 $0x1;
	_ =	shalt  }
.Lfunc_end2:
_tile_overlayer_lowered:
.L_overlay_start_2:
0x51: {  	(tag) =	ssettag $0x2  }
0x52: {  	s0 =	rddreg [dreg:$0x0];
	s2 =	stileid.u32  }
0x53: {  	s1 =	rddreg [dreg:$0x1];
	p0 =	sne.s32 s2, $0x0  }
0x54: {  	s3 =	rddreg [dreg:$0x2];
	[bflag:$0x3] =	sbarrier.arrive $0xFFFF;
	s2 =	simm.s32 @!p0 $0x1C03  }
0x55: {  	[timem:s3], [sflag:s2] =	dma.local @!p0 [hbm:s0], s1  }
0x56: {  	s0 =	simm.s32 @!p0 $0x3  }
0x57: {  	_ =	swait.ge @!p0 [sflag:s0], s1  }
0x58: {  	s1 =	ssub.s32 @!p0 $0x0, s1;
	[sflag:s0] =	ssyncset.done @!p0 $0x0  }
0x59: {  	[sflag:s0] =	ssyncadd.s32 @!p0 s1  }
0x5a: {  	[bflag:$0x3] =	sbarrier.arrive $0xFFFF  }
0x5b: {  	_ =	shalt  }

// kernel: kernel.9.cloned.1.call-start
scs
__scs_entry_jumppad:
0x0: {  	(pc) =	sbr.rel $0x88, $3  }
0x1: {  	(tag) =	ssettag $0x0;
	lr =	simm.s32 $0x1  }
0x2: {  	[smem:$0x3F94] =	sst lr;
	_ =	strace $0xD0000000  }
0x3: {  	_ = 	snop  }
0x4: {  	_ = 	snop  }
0x5: {  	_ = 	snop  }
0x6: {  	_ = 	snop  }
0x7: {  	_ = 	snop  }
__scs_overlays_trampoline_lowered:
0x8: {  	[smem:$0x3FA3] =	sst s0  }
0x9: {  	[smem:$0x3FA4] =	sst s1  }
0xa: {  	[smem:$0x3FA5] =	sst s2  }
0xb: {  	[smem:$0x3FA6] =	sst s3  }
0xc: {  	[smem:$0x3FA7] =	sst s4  }
0xd: {  	[smem:$0x3FA8] =	sst s5  }
0xe: {  	[smem:$0x3FA9] =	sst s6  }
0xf: {  	[smem:$0x3FAA] =	sst s7  }
0x10: {  	[smem:$0x3FAB] =	sst s8  }
0x11: {  	[smem:$0x3FAC] =	sst s9;
	s0 =	simm.s32 @!p0 $0x0  }
0x12: {  	s1 =	sld [smem:$0x3F92];
	s0 =	simm.s32 @p0 $0x1  }
0x13: {  	[smem:$0x3FAD] =	sst s0;
	s0 =	simm.s32 @!p1 $0x0  }
0x14: {  	s2 =	sld [smem:$0x3F91];
	s0 =	simm.s32 @p1 $0x1  }
0x15: {  	[smem:$0x3FAE] =	sst s0;
	s0 =	simm.s32 @!p2 $0x0  }
0x16: {  	s3 =	sld [smem:$0x3FDB];
	s0 =	simm.s32 @p2 $0x1  }
0x17: {  	s4 =	simm.s32 $0x1BF5;
	[smem:$0x3FB0] =	sst s0  }
0x18: {  	s0 =	sld [smem:$0x3F93];
	_ =	swait.ge [sflag:s4], $0x0  }
0x19: {  	s7 =	sld [smem:$0x3F94]  }
0x1a: {  	s8 =	sadd.s32 $0xFFFFE003, lr  }
0x1b: {  	s9 =	sadd.s32 $0xFFFFFEF7, lr;
	s5 =	simm.s32 $0xFFFFFFFF;
	p2 =	slt.u32 s8, $0xFFFFF086  }
0x1c: {  	p1 =	slt.u32 s9, $0xF7A;
	s5 =	simm.s32 @!p2 $0x0  }
0x1d: {  	s5 =	simm.s32 @p1 $0x1;
	p0 =	seq.s32 s7, s2  }
0x1e: {  	s7 =	smul.u32 @!p0 $0xF7A, s2;
	p2 =	seq.s32 @!p0 s5, $0x0  }
0x1f: {  	s9 =	smul.u32 $0xF7A, s1;
	s8 =	simm.s32 @!p0 $0x1BF5;
	p2 =	por !p2, p0  }
0x20: {  	[sflag:s8] =	ssyncset.s32 @!p0 $0xFFFFF086;
	s6 =	sadd.s32 @!p0 s3, s7;
	s7 =	simm.s32 @!p0 $0x108  }
0x21: {  	s3 =	sadd.s32 s3, s9;
	s6 =	sadd.s32 @!p0 $0x88, s6;
	s7 =	simm.s32 @p2 $0x1082  }
0x22: {  	[simem:s7], [sflag:s8] =	dma.local @!p0 [hbm:s6], $0xF7A  }
0x23: {  	s9 =	sor.u32 $0xD0000000, s2;
	s6 =	simm.s32 $0x108;
	_ =	swait.ge @!p0 [sflag:s8], $0x0  }
0x24: {  	s3 =	sadd.s32 $0x88, s3;
	s6 =	simm.s32 @!p1 $0x1082;
	[sflag:s4] =	ssyncset.s32 $0xFFFFF086  }
0x25: {  	[simem:s6], [sflag:s4] =	dma.local [hbm:s3], $0xF7A  }
0x26: {  	[smem:$0x3F94] =	sst s1;
	(tag) =	ssettag s2;
	_ =	strace s9  }
0x27: {  	s1 =	sld [smem:$0x3FA4]  }
0x28: {  	s2 =	sld [smem:$0x3FA5]  }
0x29: {  	s4 =	sld [smem:$0x3FA7]  }
0x2a: {  	p0 =	seq.s32 s5, $0x0;
	s5 =	sld [smem:$0x3FA8]  }
0x2b: {  	s6 =	sld [smem:$0x3FA9]  }
0x2c: {  	s7 =	sld [smem:$0x3FAA]  }
0x2d: {  	s3 =	simm.s32 $0x108;
	s8 =	sld [smem:$0x3FAB]  }
0x2e: {  	s3 =	simm.s32 @!p0 $0x1082;
	s9 =	sld [smem:$0x3FAC]  }
0x2f: {  	lr =	sadd.s32 s0, s3;
	s0 =	sld [smem:$0x3FA3]  }
0x30: {  	s3 =	sld [smem:$0x3FA6]  }
0x31: {  	[smem:$0x3FAF] =	sst s10  }
0x32: {  	s10 =	sld [smem:$0x3FAD];
	_ =	sdelay $0x3  }
0x33: {  	p0 =	seq.s32 s10, $0x1;
	s10 =	sld [smem:$0x3FAF];
	_ =	sdelay $0x3  }
0x34: {  	[smem:$0x3FAF] =	sst s10  }
0x35: {  	s10 =	sld [smem:$0x3FAE];
	_ =	sdelay $0x3  }
0x36: {  	p1 =	seq.s32 s10, $0x1;
	s10 =	sld [smem:$0x3FAF];
	_ =	sdelay $0x3  }
0x37: {  	[smem:$0x3FAF] =	sst s10  }
0x38: {  	s10 =	sld [smem:$0x3FB0]  }
0x39: {  	_ = 	snop;
	(pc) =	sbr.ind lr, $3  }
0x3a: {  	_ = 	snop  }
0x3b: {  	_ = 	snop  }
0x3c: {  	p2 =	seq.s32 s10, $0x1;
	s10 =	sld [smem:$0x3FAF]  }
0x3d: {  	_ =	shalt  }
0x3e: {  	_ =	shalt  }
0x3f: {  	_ =	shalt  }
0x40: {  	_ =	shalt  }
0x41: {  	_ =	shalt  }
0x42: {  	_ =	shalt  }
0x43: {  	_ =	shalt  }
0x44: {  	_ =	shalt  }
0x45: {  	_ =	shalt  }
0x46: {  	_ =	shalt  }
0x47: {  	_ =	shalt  }
0x48: {  	_ =	shalt  }
0x49: {  	_ =	shalt  }
0x4a: {  	_ =	shalt  }
0x4b: {  	_ =	shalt  }
0x4c: {  	_ =	shalt  }
0x4d: {  	_ =	shalt  }
0x4e: {  	_ =	shalt  }
0x4f: {  	_ =	shalt  }
0x50: {  	_ =	shalt  }
0x51: {  	_ =	shalt  }
0x52: {  	_ =	shalt  }
0x53: {  	_ =	shalt  }
0x54: {  	_ =	shalt  }
0x55: {  	_ =	shalt  }
0x56: {  	_ =	shalt  }
0x57: {  	_ =	shalt  }
0x58: {  	_ =	shalt  }
0x59: {  	_ =	shalt  }
0x5a: {  	_ =	shalt  }
0x5b: {  	_ =	shalt  }
0x5c: {  	_ =	shalt  }
0x5d: {  	_ =	shalt  }
0x5e: {  	_ =	shalt  }
0x5f: {  	_ =	shalt  }
0x60: {  	_ =	shalt  }
0x61: {  	_ =	shalt  }
0x62: {  	_ =	shalt  }
0x63: {  	_ =	shalt  }
0x64: {  	_ =	shalt  }
0x65: {  	_ =	shalt  }
0x66: {  	_ =	shalt  }
0x67: {  	_ =	shalt  }
0x68: {  	_ =	shalt  }
0x69: {  	_ =	shalt  }
0x6a: {  	_ =	shalt  }
0x6b: {  	_ =	shalt  }
0x6c: {  	_ =	shalt  }
0x6d: {  	_ =	shalt  }
0x6e: {  	_ =	shalt  }
0x6f: {  	_ =	shalt  }
0x70: {  	_ =	shalt  }
0x71: {  	_ =	shalt  }
0x72: {  	_ =	shalt  }
0x73: {  	_ =	shalt  }
0x74: {  	_ =	shalt  }
0x75: {  	_ =	shalt  }
0x76: {  	_ =	shalt  }
0x77: {  	_ =	shalt  }
0x78: {  	_ =	shalt  }
0x79: {  	_ =	shalt  }
0x7a: {  	_ =	shalt  }
0x7b: {  	_ =	shalt  }
0x7c: {  	_ =	shalt  }
0x7d: {  	_ =	shalt  }
0x7e: {  	_ =	shalt  }
0x7f: {  	_ =	shalt  }
0x80: {  	_ =	shalt  }
0x81: {  	_ =	shalt  }
0x82: {  	_ =	shalt  }
0x83: {  	_ =	shalt  }
0x84: {  	_ =	shalt  }
0x85: {  	_ =	shalt  }
0x86: {  	_ =	shalt  }
0x87: {  	_ =	shalt  }
.Lfunc_end0:
.L_simem_size_0:
called_computation.1_lowered:
.L_overlay_start_0:
0x88: {  	s2 =	sld [smem:$0x3FD9]  }
0x89: {  	s3 =	sld [smem:$0x3FFE];
	_ =	sdelay $0x1  }
0x8a: {  	s1 =	srdreg.scid  }
0x8b: {  	s0 =	sand.u32 $0x1, s1  }
0x8c: {  	s17 =	sshll.u32 s0, $0xA;
	s2 =	sadd.s32 s3, s2  }
0x8d: {  	s2 =	sadd.s32 s2, s17  }
0x8e: {  	[smem:$0x3FBB] =	sst s2  }
0x8f: {  	_ = 	snop  }
0x90: {  	s2 =	sld [smem:$0x3FD0];
	(tm) =	ssettm $0x1  }
0x91: {  	s18 =	sld [smem:$0x3FFB];
	_ =	sdelay $0x3  }
0x92: {  	_ =	strace s18  }
0x93: {  	s3 =	sld [smem:$0x3FFC];
	_ =	sdelay $0x3  }
0x94: {  	_ =	strace s3  }
0x95: {  	s3 =	sld [smem:$0x3FFD];
	_ =	sdelay $0x3  }
0x96: {  	_ =	strace s3  }
0x97: {  	_ =	strace $0x8FFFFFFF  }
0x98: {  	s19 =	sld [smem:$0x3FDB];
	_ =	sdelay $0x1  }
0x99: {  	s4 =	simm.s32 $_scs_section_size  }
0x9a: {  	s5 =	simm.s32 $_size__tile_overlayer_lowered;
	s6 =	simm.s32 $_tile_overlayer_lowered  }
0x9b: {  	s22 =	simm.s32 $0x1BFF;
	s21 =	sshll.u32 s6, $0x1;
	s3 =	sadd.s32 s4, s19  }
0x9c: {  	s7 =	simm.s32 $0x0;
	s20 =	sshll.u32 s5, $0x1;
	s5 =	sadd.s32 s21, s3  }
0x9d: {  	[timem:s7], [sflag:s22] =	dma.local [hbm:s5], s20  }
0x9e: {  	_ =	swait.ge [sflag:s22], s20  }
0x9f: {  	s4 =	ssub.s32 $0x0, s20;
	[sflag:s22] =	ssyncset.done $0x0  }
0xa0: {  	[sflag:s22] =	ssyncadd.s32 s4;
	_ =	sdelay $0x1  }
0xa1: {  	s23 =	simm.s32 $0x1B8B  }
0xa2: {  	_ =	swait.ge [sflag:s23], $0x1  }
0xa3: {  	[sflag:s23] =	ssyncset.done $0x0  }
0xa4: {  	s25 =	simm.s32 $0x1B8E;
	s24 =	sld [smem:$0x3FFE];
	[sflag:s23] =	ssyncadd.s32 $0xFFFFFFFF  }
0xa5: {  	s26 =	simm.s32 $execute0_lowered;
	[smem:$0x3FD2] =	sst s25  }
0xa6: {  	s5 =	sshll.u32 s26, $0x1;
	_ =	strace $0x80000049;
	[dreg:$0x1] =	wrdreg $0xFFFFFFFF  }
0xa7: {  	s28 =	simm.s32 $_size_execute0_lowered;
	s3 =	sadd.s32 s3, s5;
	[dreg:$0x0] =	wrdreg $0x0  }
0xa8: {  	s5 =	sshll.u32 s28, $0x1;
	[dreg:$0x2] =	wrdreg s3  }
0xa9: {  	[dreg:$0x3] =	wrdreg s5  }
0xaa: {  	[dreg:$0x4] =	wrdreg $0xC0  }
0xab: {  	_ =	task [dreg:s7], $0x5FFFF  }
0xac: {  	[dreg:$0x1] =	wrdreg $0xFFFFFFFF  }
0xad: {  	[dreg:$0x0] =	wrdreg $0x60  }
0xae: {  	[dreg:$0x2] =	wrdreg s24  }
0xaf: {  	[dreg:$0x3] =	wrdreg s2  }
0xb0: {  	[dreg:$0x4] =	wrdreg $0x83800  }
0xb1: {  	[dreg:$0x5] =	wrdreg $0x9  }
0xb2: {  	_ =	task.clear_ibuf [dreg:s7], $0x6FFFF;
	_ =	strace $0x90000049  }
0xb3: {  	s29 =	simm.s32 $0x9;
	_ =	strace $0x8000004B  }
0xb4: {  	_ =	swait.ge [sflag:s29], $0x1  }
0xb5: {  	[sflag:s29] =	ssyncadd.s32 $0xFFFFFFFF  }
0xb6: {  	_ =	strace $0x9000004B  }
0xb7: {  	_ =	sfence  }
0xb8: {  	s30 =	sld [smem:$0x0];
	_ =	sdelay $0x2  }
0xb9: {  	s31 =	sshll.u32 s1, $0xD;
	s1 =	sshrl.u32 s1, $0x2  }
0xba: {  	s3 =	sand.u32 $0x4000, s31;
	s1 =	sadd.s32 s1, s30  }
0xbb: {  	s0 =	sor.u32 s3, s0;
	s1 =	sshll.u32 s1, $0x11  }
0xbc: {  	s0 =	sor.u32 s1, s0  }
0xbd: {  	s0 =	sadd.s32 $0x8F2B, s0  }
0xbe: {  	[sflag:s0] =	ssyncadd.remote.s32 $0x1  }
0xbf: {  	_ =	sfence.sel $0xFFFF  }
0xc0: {  	[dreg:$0x0] =	wrdreg $0xFFFFFFFF;
	(pc) =	sbr.abs _section_cstart, $3  }
0xc1: {  	[dreg:$0x1] =	wrdreg $0xFFFFFFFF  }
0xc2: {  	_ =	task.clear_ibuf [dreg:s7], $0x2FFFF;
	_ =	strace $0x9FFFFFFF  }
0xc3: {  	(tm) =	ssettm $0x7FFFFFFF  }
tec
execute0_lowered:
.L_overlay_start_1:
0x0: {  	(tag) =	ssettag $0x1  }
0x1: {  	s0 =	rddreg [dreg:$0x0]  }
0x2: {  	s3 =	rddreg [dreg:$0x1]  }
0x3: {  	s1 =	rddreg [dreg:$0x2];
	s13 =	stileid.u32  }
0x4: {  	s2 =	simm.s32 $0x0;
	s4 =	srdreg.scid;
	s7 =	smul.u32 $0x13C00, s13  }
0x5: {  	s28 =	simm.s32 $0x8300;
	s5 =	sadd.s32 $0x755200, s0;
	s9 =	smul.u32 $0x1388, s13  }
0x6: {  	s29 =	simm.s32 $0x0;
	s18 =	sadd.s32 $0x9C8A00, s0;
	s12 =	smul.u32 $0x50000, s13  }
0x7: {  	s11 =	sand.u32 $0x1, s4;
	s19 =	sadd.s32 $0xC3C200, s0;
	s14 =	smul.u32 $0x4F000, s13  }
0x8: {  	[smem:$0x7FF] =	sst s2;
	s20 =	sadd.s32 $0xEAFA00, s0;
	s6 =	smul.u32 $0x4F0000, s11  }
0x9: {  	s4 =	sadd.s32 $0x2200, s0;
	s8 =	smul.u32 $0x13880, s11;
	s31 =	ssub.s32 $0x2, s11  }
0xa: {  	_ =	strace $0x8000004A;
	s21 =	smul.u32 $0x138800, s11;
	s10 =	sshrl.u32 s31, $0x1  }
0xb: {  	s12 =	sshrl.u32 s12, $0x2;
	s6 =	sadd.s32 s7, s6;
	s16 =	ssub.s32 s31, s10  }
0xc: {  	s9 =	sadd.s32 s9, s8;
	s15 =	sadd.s32 s12, s1;
	s23 =	sadd.s32 s21, s5  }
0xd: {  	s25 =	sadd.s32 s21, s18;
	s26 =	sadd.s32 s21, s19;
	s30 =	sadd.s32 s21, s20  }
0xe: {  	s6 =	sshrl.u32 s6, $0x3;
	s10 =	sshrl.u32 s9, $0x3;
	[dreg:$0x5] =	wrdreg s15  }
0xf: {  	s17 =	sshll.u32 s9, $0x4;
	s9 =	sshrl.u32 s14, $0x2;
	s16 =	smax.u32 s16, $0x1  }
0x10: {  	s0 =	sadd.s32 s6, s0;
	s3 =	sadd.s32 s3, s10;
	s22 =	sadd.s32 s5, s17  }
0x11: {  	s9 =	sadd.s32 s9, s1;
	s10 =	sadd.s32 s18, s17;
	s12 =	sadd.s32 s19, s17  }
0x12: {  	s14 =	sadd.s32 s20, s17;
	[dreg:$0x6] =	wrdreg s22;
	s22 =	smul.u32 $0x13880, s13  }
0x13: {  	[dreg:$0x4] =	wrdreg s3;
	s8 =	sadd.s32 $0x4A00, s0;
	s11 =	sadd.s32 $0x2C200, s0  }
0x14: {  	s13 =	sadd.s32 $0x53A00, s0;
	s15 =	sadd.s32 $0x7B200, s0;
	s24 =	sadd.s32 s22, s23  }
0x15: {  	v0 =	vlaneseq.u32;
	s0 =	sadd.s32 s22, s25;
	s3 =	sadd.s32 s22, s26;
	s31 =	sadd.s32 s22, s30  }
0x16: {  	v0 =	vmul.u32 $0xFFFFFFFF, v0;
	s22 =	simm.s32 $0x3;
	s23 =	simm.s32 $0x2800;
	s25 =	simm.s32 $0x50  }
0x17: {  	s26 =	simm.s32 $0x2;
	s17 =	sadd.s32 $0xA00, s24;
	s18 =	sadd.s32 $0xA00, s0  }
0x18: {  	v0 =	vadd.s32 $0x1388, v0;
	s19 =	sadd.s32 $0xA00, s3;
	s20 =	sadd.s32 $0xA00, s31;
	s24 =	simm.s32 $0x1  }
.LBB2_1:
0x19: {  	s0 =	rddreg [dreg:$0x4];
	s3 =	simm.s32 $0x5000  }
0x1a: {  	[tilespmem:s3], [sflag:$0x3] =	stream.linear.gather [hbm4b:s0+s2], $0x13C0, $0x38;
	[tilespmem:$0x1C380] =	vst v63  }
0x1b: {  	_ =	swait.ge [sflag:s22], $0x13C0  }
0x1c: {  	[sflag:s22] =	ssyncset.done $0x0  }
0x1d: {  	s21 =	simm.s32 $0x5020;
	[sflag:s22] =	ssyncadd.s32 $0xFFFFEC40  }
0x1e: {  	v1 =	vld [tilespmem:s21+$0xFFFFFFE0];
	_ =	sdelay $0x2  }
0x1f: {  	s5 =	simm.s32 $0x0  }
0x20: {  	v2 =	vmov s5  }
0x21: {  	vm1 =	vlt.u32 v2, v0;
	vm0 =	vlt.u32 v1, $0x2710;
	v2 =	vand.u32 $0x7F, v1  }
0x22: {  	vm0 =	vmand vm1, vm0;
	v2 =	vor.u32 $0x2780, v2  }
0x23: {  	s0 =	simm.s32 $0x6420;
	v1 =	vsel vm0, v1, v2  }
0x24: {  	[tilespmem:s0+$0xFFFFFFE0] =	vst v1  }
0x25: {  	v1 =	vld [tilespmem:s21+$0xFFFFFFF0];
	_ =	sdelay $0x2  }
0x26: {  	s5 =	simm.s32 $0x10  }
0x27: {  	v2 =	vmov s5  }
0x28: {  	vm9 =	vlt.u32 v2, v0;
	vm8 =	vlt.u32 v1, $0x2710;
	v2 =	vand.u32 $0x7F, v1  }
0x29: {  	vm0 =	vmand vm9, vm8;
	v2 =	vor.u32 $0x2780, v2  }
0x2a: {  	v1 =	vsel vm0, v1, v2  }
0x2b: {  	[tilespmem:s0+$0xFFFFFFF0] =	vst v1  }
0x2c: {  	v1 =	vld [tilespmem:s21+$0x0];
	_ =	sdelay $0x2  }
0x2d: {  	s6 =	simm.s32 $0x20  }
0x2e: {  	v2 =	vmov s6  }
0x2f: {  	vm11 =	vlt.u32 v2, v0;
	vm10 =	vlt.u32 v1, $0x2710;
	v2 =	vand.u32 $0x7F, v1  }
0x30: {  	vm0 =	vmand vm11, vm10;
	v2 =	vor.u32 $0x2780, v2  }
0x31: {  	v1 =	vsel vm0, v1, v2  }
0x32: {  	[tilespmem:s0+$0x0] =	vst v1  }
0x33: {  	v1 =	vld [tilespmem:s21+$0x10];
	_ =	sdelay $0x2  }
0x34: {  	s7 =	simm.s32 $0x30  }
0x35: {  	v2 =	vmov s7  }
0x36: {  	vm13 =	vlt.u32 v2, v0;
	vm12 =	vlt.u32 v1, $0x2710;
	v2 =	vand.u32 $0x7F, v1  }
0x37: {  	vm0 =	vmand vm13, vm12;
	v2 =	vor.u32 $0x2780, v2  }
0x38: {  	v1 =	vsel vm0, v1, v2  }
0x39: {  	[tilespmem:s0+$0x10] =	vst v1  }
0x3a: {  	v1 =	vld [tilespmem:s21+$0x20];
	_ =	sdelay $0x2  }
0x3b: {  	s21 =	simm.s32 $0x40  }
0x3c: {  	v2 =	vmov s21  }
0x3d: {  	vm15 =	vlt.u32 v2, v0;
	vm14 =	vlt.u32 v1, $0x2710;
	v2 =	vand.u32 $0x7F, v1  }
0x3e: {  	vm0 =	vmand vm15, vm14;
	v2 =	vor.u32 $0x2780, v2  }
0x3f: {  	v1 =	vsel vm0, v1, v2  }
0x40: {  	s30 =	simm.s32 $0x5070;
	[tilespmem:s0+$0x20] =	vst v1  }
0x41: {  	s31 =	simm.s32 $0x90;
	s21 =	simm.s32 $0xE0;
	v1 =	vld [tilespmem:s30+$0xFFFFFFE0]  }
.LBB2_2:
0x42: {  	p0 =	sne.s32 s21, $0x13A0;
	_ =	sdelay $0x1  }
0x43: {  	s3 =	sadd.s32 $0xFFFFFFC0, s31  }
0x44: {  	v2 =	vmov s3  }
0x45: {  	vm1 =	vlt.u32 v2, v0;
	vm0 =	vlt.u32 v1, $0x2710;
	v2 =	vand.u32 $0x7F, v1  }
0x46: {  	vm0 =	vmand vm1, vm0;
	v2 =	vor.u32 $0x2780, v2  }
0x47: {  	s0 =	sadd.s32 $0x80, s0;
	v1 =	vsel vm0, v1, v2  }
0x48: {  	[tilespmem:s0+$0xFFFFFFE0] =	vst v1  }
0x49: {  	v1 =	vld [tilespmem:s30+$0xFFFFFFF0];
	_ =	sdelay $0x2  }
0x4a: {  	s3 =	sadd.s32 $0xFFFFFFD0, s31  }
0x4b: {  	v2 =	vmov s3  }
0x4c: {  	vm1 =	vlt.u32 v2, v0;
	vm0 =	vlt.u32 v1, $0x2710;
	v2 =	vand.u32 $0x7F, v1  }
0x4d: {  	vm0 =	vmand vm1, vm0;
	v2 =	vor.u32 $0x2780, v2  }
0x4e: {  	v1 =	vsel vm0, v1, v2  }
0x4f: {  	[tilespmem:s0+$0xFFFFFFF0] =	vst v1  }
0x50: {  	v1 =	vld [tilespmem:s30+$0x0];
	_ =	sdelay $0x2  }
0x51: {  	s3 =	sadd.s32 $0xFFFFFFE0, s31  }
0x52: {  	v2 =	vmov s3  }
0x53: {  	vm1 =	vlt.u32 v2, v0;
	vm0 =	vlt.u32 v1, $0x2710;
	v2 =	vand.u32 $0x7F, v1  }
0x54: {  	vm0 =	vmand vm1, vm0;
	v2 =	vor.u32 $0x2780, v2  }
0x55: {  	v1 =	vsel vm0, v1, v2  }
0x56: {  	[tilespmem:s0+$0x0] =	vst v1  }
0x57: {  	v1 =	vld [tilespmem:s30+$0x10];
	_ =	sdelay $0x2  }
0x58: {  	s3 =	sadd.s32 $0xFFFFFFF0, s31  }
0x59: {  	v2 =	vmov s3  }
0x5a: {  	vm1 =	vlt.u32 v2, v0;
	vm0 =	vlt.u32 v1, $0x2710;
	v2 =	vand.u32 $0x7F, v1  }
0x5b: {  	vm0 =	vmand vm1, vm0;
	v2 =	vor.u32 $0x2780, v2  }
0x5c: {  	v1 =	vsel vm0, v1, v2  }
0x5d: {  	[tilespmem:s0+$0x10] =	vst v1  }
0x5e: {  	v1 =	vld [tilespmem:s30+$0x20];
	_ =	sdelay $0x3  }
0x5f: {  	v2 =	vmov s31;
	s31 =	smov.u32 s21  }
.Ltmp0:
0x60: {  	vm1 =	vlt.u32 v2, v0;
	vm0 =	vlt.u32 v1, $0x2710;
	v2 =	vand.u32 $0x7F, v1;
	(pc) =	sbr.rel @p0 .LBB2_2-.Ltmp0, $4  }
0x61: {  	vm0 =	vmand vm1, vm0;
	v2 =	vor.u32 $0x2780, v2  }
0x62: {  	v1 =	vsel vm0, v1, v2  }
0x63: {  	s30 =	sadd.s32 $0x50, s30;
	[tilespmem:s0+$0x20] =	vst v1  }
0x64: {  	s21 =	sadd.s32 $0x50, s21;
	v1 =	vld [tilespmem:s30+$0xFFFFFFE0]  }
0x65: {  	_ =	sdelay $0x1  }
0x66: {  	s3 =	sadd.s32 $0xFFFFFFC0, s31  }
0x67: {  	v2 =	vmov s3  }
0x68: {  	vm1 =	vlt.u32 v2, v0;
	vm0 =	vlt.u32 v1, $0x2710;
	v2 =	vand.u32 $0x7F, v1  }
0x69: {  	vm0 =	vmand vm1, vm0;
	v2 =	vor.u32 $0x2780, v2  }
0x6a: {  	s0 =	sadd.s32 $0x80, s0;
	v1 =	vsel vm0, v1, v2  }
0x6b: {  	[tilespmem:s0+$0xFFFFFFE0] =	vst v1  }
0x6c: {  	v1 =	vld [tilespmem:s30+$0xFFFFFFF0];
	_ =	sdelay $0x2  }
0x6d: {  	s21 =	sadd.s32 $0xFFFFFFD0, s31  }
0x6e: {  	v2 =	vmov s21  }
0x6f: {  	vm9 =	vlt.u32 v2, v0;
	vm8 =	vlt.u32 v1, $0x2710;
	v2 =	vand.u32 $0x7F, v1  }
0x70: {  	vm0 =	vmand vm9, vm8;
	v2 =	vor.u32 $0x2780, v2  }
0x71: {  	v1 =	vsel vm0, v1, v2  }
0x72: {  	[tilespmem:s0+$0xFFFFFFF0] =	vst v1  }
0x73: {  	v1 =	vld [tilespmem:s30+$0x0];
	_ =	sdelay $0x2  }
0x74: {  	s5 =	sadd.s32 $0xFFFFFFE0, s31  }
0x75: {  	v2 =	vmov s5  }
0x76: {  	vm11 =	vlt.u32 v2, v0;
	vm10 =	vlt.u32 v1, $0x2710;
	v2 =	vand.u32 $0x7F, v1  }
0x77: {  	vm0 =	vmand vm11, vm10;
	v2 =	vor.u32 $0x2780, v2  }
0x78: {  	v1 =	vsel vm0, v1, v2  }
0x79: {  	[tilespmem:s0+$0x0] =	vst v1  }
0x7a: {  	v1 =	vld [tilespmem:s30+$0x10];
	_ =	sdelay $0x2  }
0x7b: {  	s6 =	sadd.s32 $0xFFFFFFF0, s31  }
0x7c: {  	v2 =	vmov s6  }
0x7d: {  	vm13 =	vlt.u32 v2, v0;
	vm12 =	vlt.u32 v1, $0x2710;
	v2 =	vand.u32 $0x7F, v1  }
0x7e: {  	vm0 =	vmand vm13, vm12;
	v2 =	vor.u32 $0x2780, v2  }
0x7f: {  	v1 =	vsel vm0, v1, v2  }
0x80: {  	[tilespmem:s0+$0x10] =	vst v1  }
0x81: {  	v1 =	vld [tilespmem:s30+$0x20];
	_ =	sdelay $0x3  }
0x82: {  	v2 =	vmov s31  }
0x83: {  	vm15 =	vlt.u32 v2, v0;
	vm14 =	vlt.u32 v1, $0x2710;
	v2 =	vand.u32 $0x7F, v1  }
0x84: {  	s7 =	stileid.u32;
	vm0 =	vmand vm15, vm14;
	v2 =	vor.u32 $0x2780, v2  }
0x85: {  	s3 =	sshll.u32 s7, $0x6;
	s21 =	rddreg [dreg:$0x5];
	v1 =	vsel vm0, v1, v2  }
0x86: {  	s31 =	sshrl.u32 s21, $0x3;
	s30 =	sor.u32 $0x1C03, s3;
	[tilespmem:s0+$0x20] =	vst v1  }
0x87: {  	[spmem:s31], [sflag:s30] =	dma.local [hbm:s4], $0x2800  }
0x88: {  	_ =	swait.ge [sflag:s22], $0x2800  }
0x89: {  	[sflag:s22] =	ssyncset.done $0x0  }
0x8a: {  	[sflag:s22] =	ssyncadd.s32 $0xFFFFD800  }
0x8b: {  	[bflag:$0x0] =	sbarrier.arrive $0xFFFF  }
0x8c: {  	s3 =	simm.s32 $0x0;
	s5 =	rddreg [dreg:$0x6]  }
0x8d: {  	[tilespmem:s3], [sflag:$0x1] =	stream.linear.gather [hbm4b:s5+s3], $0x2800, $0x38;
	[tilespmem:$0x1C380] =	vst v63  }
0x8e: {  	s6 =	sadd.s32 $0xFFFFFB00, s17  }
0x8f: {  	[tilespmem:s23], [sflag:$0x2] =	stream.linear.gather [hbm4b:s6+s2], $0x2800, $0x38;
	[tilespmem:$0x1C380] =	vst v63  }
0x90: {  	_ =	swait.ge [sflag:s24], $0x2800  }
0x91: {  	[sflag:s24] =	ssyncset.done $0x0  }
0x92: {  	s7 =	simm.s32 $0x6400;
	[sflag:s24] =	ssyncadd.s32 $0xFFFFD800  }
0x93: {  	[spmem:s1] =	stream.indirect.scatter.add.f32 [tilespmem:s2], [sflag:$0x3], $0x80, s7, s25, $0xb8;
	[tilespmem:$0x1C380] =	vst v63  }
0x94: {  	_ =	swait.ge [sflag:s22], $0x2800  }
0x95: {  	[sflag:s22] =	ssyncset.done $0x0  }
0x96: {  	[sflag:s22] =	ssyncadd.s32 $0xFFFFD800  }
0x97: {  	[tilespmem:s2], [sflag:$0x1] =	stream.linear.gather [hbm4b:s17+s2], $0x2800, $0x38;
	[tilespmem:$0x1C380] =	vst v63  }
0x98: {  	_ =	swait.ge [sflag:s26], $0x2800  }
0x99: {  	[sflag:s26] =	ssyncset.done $0x0  }
0x9a: {  	s21 =	simm.s32 $0x6480;
	[sflag:s26] =	ssyncadd.s32 $0xFFFFD800  }
0x9b: {  	[spmem:s1] =	stream.indirect.scatter.add.f32 [tilespmem:s23], [sflag:$0x3], $0x80, s21, s25, $0xb8;
	[tilespmem:$0x1C380] =	vst v63  }
0x9c: {  	s0 =	sadd.s32 $0xA00, s17;
	_ =	swait.ge [sflag:s22], $0x2800  }
0x9d: {  	s3 =	simm.s32 $0x800;
	s21 =	simm.s32 $0x400;
	[sflag:s22] =	ssyncset.done $0x0  }
.LBB2_4:
0x9e: {  	p0 =	sne.s32 s3, $0x7800;
	s5 =	sadd.s32 $0xFFFFFB00, s0;
	[sflag:s22] =	ssyncadd.s32 $0xFFFFD800  }
0x9f: {  	[tilespmem:s23], [sflag:$0x2] =	stream.linear.gather [hbm4b:s5+s2], $0x2800, $0x38;
	[tilespmem:$0x1C380] =	vst v63  }
0xa0: {  	s5 =	smov.u32 s3;
	s3 =	sadd.s32 $0x400, s3;
	_ =	swait.ge [sflag:s24], $0x2800  }
0xa1: {  	s6 =	sshra.s32 s21, $0x2;
	s21 =	smov.u32 s5;
	[sflag:s24] =	ssyncset.done $0x0  }
0xa2: {  	s5 =	sadd.s32 $0x6400, s6;
	[sflag:s24] =	ssyncadd.s32 $0xFFFFD800  }
0xa3: {  	[spmem:s1] =	stream.indirect.scatter.add.f32 [tilespmem:s2], [sflag:$0x3], $0x80, s5, s25, $0xb8;
	[tilespmem:$0x1C380] =	vst v63  }
0xa4: {  	_ =	swait.ge [sflag:s22], $0x2800  }
0xa5: {  	[sflag:s22] =	ssyncset.done $0x0  }
0xa6: {  	[sflag:s22] =	ssyncadd.s32 $0xFFFFD800  }
0xa7: {  	[tilespmem:s2], [sflag:$0x1] =	stream.linear.gather [hbm4b:s0+s2], $0x2800, $0x38;
	[tilespmem:$0x1C380] =	vst v63  }
0xa8: {  	_ =	swait.ge [sflag:s26], $0x2800  }
.Ltmp1:
0xa9: {  	[sflag:s26] =	ssyncset.done $0x0;
	(pc) =	sbr.rel @p0 .LBB2_4-.Ltmp1, $4  }
0xaa: {  	s5 =	sadd.s32 $0x6480, s6;
	[sflag:s26] =	ssyncadd.s32 $0xFFFFD800  }
0xab: {  	[spmem:s1] =	stream.indirect.scatter.add.f32 [tilespmem:s23], [sflag:$0x3], $0x80, s5, s25, $0xb8;
	[tilespmem:$0x1C380] =	vst v63  }
0xac: {  	_ =	swait.ge [sflag:s22], $0x2800  }
0xad: {  	s0 =	sadd.s32 $0xA00, s0;
	[sflag:s22] =	ssyncset.done $0x0  }
0xae: {  	s3 =	sadd.s32 $0xFFFFFB00, s0;
	[sflag:s22] =	ssyncadd.s32 $0xFFFFD800  }
0xaf: {  	[tilespmem:s23], [sflag:$0x2] =	stream.linear.gather [hbm4b:s3+s2], $0x2800, $0x38;
	[tilespmem:$0x1C380] =	vst v63  }
0xb0: {  	_ =	swait.ge [sflag:s24], $0x2800  }
0xb1: {  	s21 =	sshra.s32 s21, $0x2;
	[sflag:s24] =	ssyncset.done $0x0  }
0xb2: {  	s5 =	sadd.s32 $0x6400, s21;
	[sflag:s24] =	ssyncadd.s32 $0xFFFFD800  }
0xb3: {  	[spmem:s1] =	stream.indirect.scatter.add.f32 [tilespmem:s2], [sflag:$0x3], $0x80, s5, s25, $0xb8;
	[tilespmem:$0x1C380] =	vst v63  }
0xb4: {  	_ =	swait.ge [sflag:s22], $0x2800  }
0xb5: {  	[sflag:s22] =	ssyncset.done $0x0  }
0xb6: {  	[sflag:s22] =	ssyncadd.s32 $0xFFFFD800  }
0xb7: {  	[tilespmem:s2], [sflag:$0x1] =	stream.linear.gather [hbm4b:s0+s2], $0x2800, $0x38;
	[tilespmem:$0x1C380] =	vst v63  }
0xb8: {  	_ =	swait.ge [sflag:s26], $0x2800  }
0xb9: {  	[sflag:s26] =	ssyncset.done $0x0  }
0xba: {  	s3 =	sadd.s32 $0x6480, s21;
	[sflag:s26] =	ssyncadd.s32 $0xFFFFD800  }
0xbb: {  	[spmem:s1] =	stream.indirect.scatter.add.f32 [tilespmem:s23], [sflag:$0x3], $0x80, s3, s25, $0xb8;
	[tilespmem:$0x1C380] =	vst v63  }
0xbc: {  	_ =	swait.ge [sflag:s22], $0x2800  }
0xbd: {  	[sflag:s22] =	ssyncset.done $0x0  }
0xbe: {  	[sflag:s22] =	ssyncadd.s32 $0xFFFFD800  }
0xbf: {  	_ =	swait.ge [sflag:s24], $0x2800  }
0xc0: {  	[sflag:s24] =	ssyncset.done $0x0  }
0xc1: {  	s5 =	simm.s32 $0x0;
	[sflag:s24] =	ssyncadd.s32 $0xFFFFD800  }
0xc2: {  	[spmem:s1] =	stream.indirect.scatter.add.f32 [tilespmem:s5], [sflag:$0x3], $0x80, s28, s25, $0xb8;
	[tilespmem:$0x1C380] =	vst v63  }
0xc3: {  	_ =	swait.ge [sflag:s22], $0x2800  }
0xc4: {  	[sflag:s22] =	ssyncset.done $0x0  }
0xc5: {  	[sflag:s22] =	ssyncadd.s32 $0xFFFFD800  }
0xc6: {  	s0 =	sshrl.u32 s9, $0x3;
	[bflag:$0x0] =	sbarrier.arrive $0xFFFF  }
0xc7: {  	[hbm:s8], [sflag:s30] =	dma.local [spmem:s0], $0x2780  }
0xc8: {  	_ =	swait.ge [sflag:s22], $0x2780  }
0xc9: {  	[sflag:s22] =	ssyncset.done $0x0  }
0xca: {  	[sflag:s22] =	ssyncadd.s32 $0xFFFFD880  }
0xcb: {  	[bflag:$0x0] =	sbarrier.arrive $0xFFFF  }
0xcc: {  	[spmem:s31], [sflag:s30] =	dma.local [hbm:s4], $0x2800  }
0xcd: {  	_ =	swait.ge [sflag:s22], $0x2800  }
0xce: {  	[sflag:s22] =	ssyncset.done $0x0  }
0xcf: {  	[sflag:s22] =	ssyncadd.s32 $0xFFFFD800  }
0xd0: {  	[bflag:$0x0] =	sbarrier.arrive $0xFFFF  }
0xd1: {  	[tilespmem:s5], [sflag:$0x1] =	stream.linear.gather [hbm4b:s10+s5], $0x2800, $0x38;
	[tilespmem:$0x1C380] =	vst v63  }
0xd2: {  	s6 =	sadd.s32 $0xFFFFFB00, s18  }
0xd3: {  	[tilespmem:s23], [sflag:$0x2] =	stream.linear.gather [hbm4b:s6+s2], $0x2800, $0x38;
	[tilespmem:$0x1C380] =	vst v63  }
0xd4: {  	_ =	swait.ge [sflag:s24], $0x2800  }
0xd5: {  	[sflag:s24] =	ssyncset.done $0x0  }
0xd6: {  	s7 =	simm.s32 $0x6400;
	[sflag:s24] =	ssyncadd.s32 $0xFFFFD800  }
0xd7: {  	[spmem:s1] =	stream.indirect.scatter.add.f32 [tilespmem:s2], [sflag:$0x3], $0x80, s7, s25, $0xb8;
	[tilespmem:$0x1C380] =	vst v63  }
0xd8: {  	_ =	swait.ge [sflag:s22], $0x2800  }
0xd9: {  	[sflag:s22] =	ssyncset.done $0x0  }
0xda: {  	[sflag:s22] =	ssyncadd.s32 $0xFFFFD800  }
0xdb: {  	[tilespmem:s2], [sflag:$0x1] =	stream.linear.gather [hbm4b:s18+s2], $0x2800, $0x38;
	[tilespmem:$0x1C380] =	vst v63  }
0xdc: {  	_ =	swait.ge [sflag:s26], $0x2800  }
0xdd: {  	[sflag:s26] =	ssyncset.done $0x0  }
0xde: {  	s21 =	simm.s32 $0x6480;
	[sflag:s26] =	ssyncadd.s32 $0xFFFFD800  }
0xdf: {  	[spmem:s1] =	stream.indirect.scatter.add.f32 [tilespmem:s23], [sflag:$0x3], $0x80, s21, s25, $0xb8;
	[tilespmem:$0x1C380] =	vst v63  }
0xe0: {  	s3 =	simm.s32 $0x400;
	_ =	swait.ge [sflag:s22], $0x2800  }
0xe1: {  	s5 =	simm.s32 $0x800;
	s21 =	sadd.s32 $0xA00, s18;
	[sflag:s22] =	ssyncset.done $0x0  }
.LBB2_6:
0xe2: {  	p0 =	sne.s32 s5, $0x7800;
	s6 =	sadd.s32 $0xFFFFFB00, s21;
	[sflag:s22] =	ssyncadd.s32 $0xFFFFD800  }
0xe3: {  	[tilespmem:s23], [sflag:$0x2] =	stream.linear.gather [hbm4b:s6+s2], $0x2800, $0x38;
	[tilespmem:$0x1C380] =	vst v63  }
0xe4: {  	s6 =	smov.u32 s5;
	s5 =	sadd.s32 $0x400, s5;
	_ =	swait.ge [sflag:s24], $0x2800  }
0xe5: {  	s7 =	sshra.s32 s3, $0x2;
	s3 =	smov.u32 s6;
	[sflag:s24] =	ssyncset.done $0x0  }
0xe6: {  	s6 =	sadd.s32 $0x6400, s7;
	[sflag:s24] =	ssyncadd.s32 $0xFFFFD800  }
0xe7: {  	[spmem:s1] =	stream.indirect.scatter.add.f32 [tilespmem:s2], [sflag:$0x3], $0x80, s6, s25, $0xb8;
	[tilespmem:$0x1C380] =	vst v63  }
0xe8: {  	_ =	swait.ge [sflag:s22], $0x2800  }
0xe9: {  	[sflag:s22] =	ssyncset.done $0x0  }
0xea: {  	[sflag:s22] =	ssyncadd.s32 $0xFFFFD800  }
0xeb: {  	[tilespmem:s2], [sflag:$0x1] =	stream.linear.gather [hbm4b:s21+s2], $0x2800, $0x38;
	[tilespmem:$0x1C380] =	vst v63  }
0xec: {  	_ =	swait.ge [sflag:s26], $0x2800  }
.Ltmp2:
0xed: {  	[sflag:s26] =	ssyncset.done $0x0;
	(pc) =	sbr.rel @p0 .LBB2_6-.Ltmp2, $4  }
0xee: {  	s6 =	sadd.s32 $0x6480, s7;
	[sflag:s26] =	ssyncadd.s32 $0xFFFFD800  }
0xef: {  	[spmem:s1] =	stream.indirect.scatter.add.f32 [tilespmem:s23], [sflag:$0x3], $0x80, s6, s25, $0xb8;
	[tilespmem:$0x1C380] =	vst v63  }
0xf0: {  	_ =	swait.ge [sflag:s22], $0x2800  }
0xf1: {  	s21 =	sadd.s32 $0xA00, s21;
	[sflag:s22] =	ssyncset.done $0x0  }
0xf2: {  	s5 =	sadd.s32 $0xFFFFFB00, s21;
	[sflag:s22] =	ssyncadd.s32 $0xFFFFD800  }
0xf3: {  	[tilespmem:s23], [sflag:$0x2] =	stream.linear.gather [hbm4b:s5+s2], $0x2800, $0x38;
	[tilespmem:$0x1C380] =	vst v63  }
0xf4: {  	_ =	swait.ge [sflag:s24], $0x2800  }
0xf5: {  	s3 =	sshra.s32 s3, $0x2;
	[sflag:s24] =	ssyncset.done $0x0  }
0xf6: {  	s7 =	sadd.s32 $0x6400, s3;
	[sflag:s24] =	ssyncadd.s32 $0xFFFFD800  }
0xf7: {  	[spmem:s1] =	stream.indirect.scatter.add.f32 [tilespmem:s2], [sflag:$0x3], $0x80, s7, s25, $0xb8;
	[tilespmem:$0x1C380] =	vst v63  }
0xf8: {  	_ =	swait.ge [sflag:s22], $0x2800  }
0xf9: {  	[sflag:s22] =	ssyncset.done $0x0  }
0xfa: {  	[sflag:s22] =	ssyncadd.s32 $0xFFFFD800  }
0xfb: {  	[tilespmem:s2], [sflag:$0x1] =	stream.linear.gather [hbm4b:s21+s2], $0x2800, $0x38;
	[tilespmem:$0x1C380] =	vst v63  }
0xfc: {  	_ =	swait.ge [sflag:s26], $0x2800  }
0xfd: {  	[sflag:s26] =	ssyncset.done $0x0  }
0xfe: {  	s3 =	sadd.s32 $0x6480, s3;
	[sflag:s26] =	ssyncadd.s32 $0xFFFFD800  }
0xff: {  	[spmem:s1] =	stream.indirect.scatter.add.f32 [tilespmem:s23], [sflag:$0x3], $0x80, s3, s25, $0xb8;
	[tilespmem:$0x1C380] =	vst v63  }
0x100: {  	_ =	swait.ge [sflag:s22], $0x2800  }
0x101: {  	[sflag:s22] =	ssyncset.done $0x0  }
0x102: {  	[sflag:s22] =	ssyncadd.s32 $0xFFFFD800  }
0x103: {  	_ =	swait.ge [sflag:s24], $0x2800  }
0x104: {  	[sflag:s24] =	ssyncset.done $0x0  }
0x105: {  	s5 =	simm.s32 $0x0;
	[sflag:s24] =	ssyncadd.s32 $0xFFFFD800  }
0x106: {  	[spmem:s1] =	stream.indirect.scatter.add.f32 [tilespmem:s5], [sflag:$0x3], $0x80, s28, s25, $0xb8;
	[tilespmem:$0x1C380] =	vst v63  }
0x107: {  	_ =	swait.ge [sflag:s22], $0x2800  }
0x108: {  	[sflag:s22] =	ssyncset.done $0x0  }
0x109: {  	[sflag:s22] =	ssyncadd.s32 $0xFFFFD800  }
0x10a: {  	[bflag:$0x0] =	sbarrier.arrive $0xFFFF  }
0x10b: {  	[hbm:s11], [sflag:s30] =	dma.local [spmem:s0], $0x2780  }
0x10c: {  	_ =	swait.ge [sflag:s22], $0x2780  }
0x10d: {  	[sflag:s22] =	ssyncset.done $0x0  }
0x10e: {  	[sflag:s22] =	ssyncadd.s32 $0xFFFFD880  }
0x10f: {  	[bflag:$0x0] =	sbarrier.arrive $0xFFFF  }
0x110: {  	[spmem:s31], [sflag:s30] =	dma.local [hbm:s4], $0x2800  }
0x111: {  	_ =	swait.ge [sflag:s22], $0x2800  }
0x112: {  	[sflag:s22] =	ssyncset.done $0x0  }
0x113: {  	[sflag:s22] =	ssyncadd.s32 $0xFFFFD800  }
0x114: {  	[bflag:$0x0] =	sbarrier.arrive $0xFFFF  }
0x115: {  	[tilespmem:s5], [sflag:$0x1] =	stream.linear.gather [hbm4b:s12+s5], $0x2800, $0x38;
	[tilespmem:$0x1C380] =	vst v63  }
0x116: {  	s6 =	sadd.s32 $0xFFFFFB00, s19  }
0x117: {  	[tilespmem:s23], [sflag:$0x2] =	stream.linear.gather [hbm4b:s6+s2], $0x2800, $0x38;
	[tilespmem:$0x1C380] =	vst v63  }
0x118: {  	_ =	swait.ge [sflag:s24], $0x2800  }
0x119: {  	[sflag:s24] =	ssyncset.done $0x0  }
0x11a: {  	s7 =	simm.s32 $0x6400;
	[sflag:s24] =	ssyncadd.s32 $0xFFFFD800  }
0x11b: {  	[spmem:s1] =	stream.indirect.scatter.add.f32 [tilespmem:s2], [sflag:$0x3], $0x80, s7, s25, $0xb8;
	[tilespmem:$0x1C380] =	vst v63  }
0x11c: {  	_ =	swait.ge [sflag:s22], $0x2800  }
0x11d: {  	[sflag:s22] =	ssyncset.done $0x0  }
0x11e: {  	[sflag:s22] =	ssyncadd.s32 $0xFFFFD800  }
0x11f: {  	[tilespmem:s2], [sflag:$0x1] =	stream.linear.gather [hbm4b:s19+s2], $0x2800, $0x38;
	[tilespmem:$0x1C380] =	vst v63  }
0x120: {  	_ =	swait.ge [sflag:s26], $0x2800  }
0x121: {  	[sflag:s26] =	ssyncset.done $0x0  }
0x122: {  	s21 =	simm.s32 $0x6480;
	[sflag:s26] =	ssyncadd.s32 $0xFFFFD800  }
0x123: {  	[spmem:s1] =	stream.indirect.scatter.add.f32 [tilespmem:s23], [sflag:$0x3], $0x80, s21, s25, $0xb8;
	[tilespmem:$0x1C380] =	vst v63  }
0x124: {  	s3 =	simm.s32 $0x400;
	_ =	swait.ge [sflag:s22], $0x2800  }
0x125: {  	s5 =	simm.s32 $0x800;
	s21 =	sadd.s32 $0xA00, s19;
	[sflag:s22] =	ssyncset.done $0x0  }
.LBB2_8:
0x126: {  	p0 =	sne.s32 s5, $0x7800;
	s6 =	sadd.s32 $0xFFFFFB00, s21;
	[sflag:s22] =	ssyncadd.s32 $0xFFFFD800  }
0x127: {  	[tilespmem:s23], [sflag:$0x2] =	stream.linear.gather [hbm4b:s6+s2], $0x2800, $0x38;
	[tilespmem:$0x1C380] =	vst v63  }
0x128: {  	s6 =	smov.u32 s5;
	s5 =	sadd.s32 $0x400, s5;
	_ =	swait.ge [sflag:s24], $0x2800  }
0x129: {  	s7 =	sshra.s32 s3, $0x2;
	s3 =	smov.u32 s6;
	[sflag:s24] =	ssyncset.done $0x0  }
0x12a: {  	s6 =	sadd.s32 $0x6400, s7;
	[sflag:s24] =	ssyncadd.s32 $0xFFFFD800  }
0x12b: {  	[spmem:s1] =	stream.indirect.scatter.add.f32 [tilespmem:s2], [sflag:$0x3], $0x80, s6, s25, $0xb8;
	[tilespmem:$0x1C380] =	vst v63  }
0x12c: {  	_ =	swait.ge [sflag:s22], $0x2800  }
0x12d: {  	[sflag:s22] =	ssyncset.done $0x0  }
0x12e: {  	[sflag:s22] =	ssyncadd.s32 $0xFFFFD800  }
0x12f: {  	[tilespmem:s2], [sflag:$0x1] =	stream.linear.gather [hbm4b:s21+s2], $0x2800, $0x38;
	[tilespmem:$0x1C380] =	vst v63  }
0x130: {  	_ =	swait.ge [sflag:s26], $0x2800  }
.Ltmp3:
0x131: {  	[sflag:s26] =	ssyncset.done $0x0;
	(pc) =	sbr.rel @p0 .LBB2_8-.Ltmp3, $4  }
0x132: {  	s6 =	sadd.s32 $0x6480, s7;
	[sflag:s26] =	ssyncadd.s32 $0xFFFFD800  }
0x133: {  	[spmem:s1] =	stream.indirect.scatter.add.f32 [tilespmem:s23], [sflag:$0x3], $0x80, s6, s25, $0xb8;
	[tilespmem:$0x1C380] =	vst v63  }
0x134: {  	_ =	swait.ge [sflag:s22], $0x2800  }
0x135: {  	s21 =	sadd.s32 $0xA00, s21;
	[sflag:s22] =	ssyncset.done $0x0  }
0x136: {  	s5 =	sadd.s32 $0xFFFFFB00, s21;
	[sflag:s22] =	ssyncadd.s32 $0xFFFFD800  }
0x137: {  	[tilespmem:s23], [sflag:$0x2] =	stream.linear.gather [hbm4b:s5+s2], $0x2800, $0x38;
	[tilespmem:$0x1C380] =	vst v63  }
0x138: {  	_ =	swait.ge [sflag:s24], $0x2800  }
0x139: {  	s3 =	sshra.s32 s3, $0x2;
	[sflag:s24] =	ssyncset.done $0x0  }
0x13a: {  	s7 =	sadd.s32 $0x6400, s3;
	[sflag:s24] =	ssyncadd.s32 $0xFFFFD800  }
0x13b: {  	[spmem:s1] =	stream.indirect.scatter.add.f32 [tilespmem:s2], [sflag:$0x3], $0x80, s7, s25, $0xb8;
	[tilespmem:$0x1C380] =	vst v63  }
0x13c: {  	_ =	swait.ge [sflag:s22], $0x2800  }
0x13d: {  	[sflag:s22] =	ssyncset.done $0x0  }
0x13e: {  	[sflag:s22] =	ssyncadd.s32 $0xFFFFD800  }
0x13f: {  	[tilespmem:s2], [sflag:$0x1] =	stream.linear.gather [hbm4b:s21+s2], $0x2800, $0x38;
	[tilespmem:$0x1C380] =	vst v63  }
0x140: {  	_ =	swait.ge [sflag:s26], $0x2800  }
0x141: {  	[sflag:s26] =	ssyncset.done $0x0  }
0x142: {  	s3 =	sadd.s32 $0x6480, s3;
	[sflag:s26] =	ssyncadd.s32 $0xFFFFD800  }
0x143: {  	[spmem:s1] =	stream.indirect.scatter.add.f32 [tilespmem:s23], [sflag:$0x3], $0x80, s3, s25, $0xb8;
	[tilespmem:$0x1C380] =	vst v63  }
0x144: {  	_ =	swait.ge [sflag:s22], $0x2800  }
0x145: {  	[sflag:s22] =	ssyncset.done $0x0  }
0x146: {  	[sflag:s22] =	ssyncadd.s32 $0xFFFFD800  }
0x147: {  	_ =	swait.ge [sflag:s24], $0x2800  }
0x148: {  	[sflag:s24] =	ssyncset.done $0x0  }
0x149: {  	s6 =	simm.s32 $0x0;
	[sflag:s24] =	ssyncadd.s32 $0xFFFFD800  }
0x14a: {  	[spmem:s1] =	stream.indirect.scatter.add.f32 [tilespmem:s6], [sflag:$0x3], $0x80, s28, s25, $0xb8;
	[tilespmem:$0x1C380] =	vst v63  }
0x14b: {  	_ =	swait.ge [sflag:s22], $0x2800  }
0x14c: {  	[sflag:s22] =	ssyncset.done $0x0  }
0x14d: {  	[sflag:s22] =	ssyncadd.s32 $0xFFFFD800  }
0x14e: {  	[bflag:$0x0] =	sbarrier.arrive $0xFFFF  }
0x14f: {  	[hbm:s13], [sflag:s30] =	dma.local [spmem:s0], $0x2780  }
0x150: {  	_ =	swait.ge [sflag:s22], $0x2780  }
0x151: {  	[sflag:s22] =	ssyncset.done $0x0  }
0x152: {  	[sflag:s22] =	ssyncadd.s32 $0xFFFFD880  }
0x153: {  	[bflag:$0x0] =	sbarrier.arrive $0xFFFF  }
0x154: {  	[spmem:s31], [sflag:s30] =	dma.local [hbm:s4], $0x2800  }
0x155: {  	_ =	swait.ge [sflag:s22], $0x2800  }
0x156: {  	[sflag:s22] =	ssyncset.done $0x0  }
0x157: {  	[sflag:s22] =	ssyncadd.s32 $0xFFFFD800  }
0x158: {  	[bflag:$0x0] =	sbarrier.arrive $0xFFFF  }
0x159: {  	[tilespmem:s6], [sflag:$0x1] =	stream.linear.gather [hbm4b:s14+s6], $0x2800, $0x38;
	[tilespmem:$0x1C380] =	vst v63  }
0x15a: {  	s7 =	sadd.s32 $0xFFFFFB00, s20  }
0x15b: {  	[tilespmem:s23], [sflag:$0x2] =	stream.linear.gather [hbm4b:s7+s2], $0x2800, $0x38;
	[tilespmem:$0x1C380] =	vst v63  }
0x15c: {  	_ =	swait.ge [sflag:s24], $0x2800  }
0x15d: {  	[sflag:s24] =	ssyncset.done $0x0  }
0x15e: {  	s21 =	simm.s32 $0x6400;
	[sflag:s24] =	ssyncadd.s32 $0xFFFFD800  }
0x15f: {  	[spmem:s1] =	stream.indirect.scatter.add.f32 [tilespmem:s2], [sflag:$0x3], $0x80, s21, s25, $0xb8;
	[tilespmem:$0x1C380] =	vst v63  }
0x160: {  	_ =	swait.ge [sflag:s22], $0x2800  }
0x161: {  	[sflag:s22] =	ssyncset.done $0x0  }
0x162: {  	[sflag:s22] =	ssyncadd.s32 $0xFFFFD800  }
0x163: {  	[tilespmem:s2], [sflag:$0x1] =	stream.linear.gather [hbm4b:s20+s2], $0x2800, $0x38;
	[tilespmem:$0x1C380] =	vst v63  }
0x164: {  	_ =	swait.ge [sflag:s26], $0x2800  }
0x165: {  	[sflag:s26] =	ssyncset.done $0x0  }
0x166: {  	s31 =	simm.s32 $0x6480;
	[sflag:s26] =	ssyncadd.s32 $0xFFFFD800  }
0x167: {  	[spmem:s1] =	stream.indirect.scatter.add.f32 [tilespmem:s23], [sflag:$0x3], $0x80, s31, s25, $0xb8;
	[tilespmem:$0x1C380] =	vst v63  }
0x168: {  	s5 =	simm.s32 $0x800;
	_ =	swait.ge [sflag:s22], $0x2800  }
0x169: {  	s3 =	simm.s32 $0x400;
	s21 =	sadd.s32 $0xA00, s20;
	[sflag:s22] =	ssyncset.done $0x0  }
.LBB2_10:
0x16a: {  	p0 =	sne.s32 s5, $0x7800;
	s6 =	sadd.s32 $0xFFFFFB00, s21;
	[sflag:s22] =	ssyncadd.s32 $0xFFFFD800  }
0x16b: {  	[tilespmem:s23], [sflag:$0x2] =	stream.linear.gather [hbm4b:s6+s2], $0x2800, $0x38;
	[tilespmem:$0x1C380] =	vst v63  }
0x16c: {  	s6 =	smov.u32 s5;
	s5 =	sadd.s32 $0x400, s5;
	_ =	swait.ge [sflag:s24], $0x2800  }
0x16d: {  	s7 =	sshra.s32 s3, $0x2;
	s3 =	smov.u32 s6;
	[sflag:s24] =	ssyncset.done $0x0  }
0x16e: {  	s6 =	sadd.s32 $0x6400, s7;
	[sflag:s24] =	ssyncadd.s32 $0xFFFFD800  }
0x16f: {  	[spmem:s1] =	stream.indirect.scatter.add.f32 [tilespmem:s2], [sflag:$0x3], $0x80, s6, s25, $0xb8;
	[tilespmem:$0x1C380] =	vst v63  }
0x170: {  	_ =	swait.ge [sflag:s22], $0x2800  }
0x171: {  	[sflag:s22] =	ssyncset.done $0x0  }
0x172: {  	[sflag:s22] =	ssyncadd.s32 $0xFFFFD800  }
0x173: {  	[tilespmem:s2], [sflag:$0x1] =	stream.linear.gather [hbm4b:s21+s2], $0x2800, $0x38;
	[tilespmem:$0x1C380] =	vst v63  }
0x174: {  	_ =	swait.ge [sflag:s26], $0x2800  }
.Ltmp4:
0x175: {  	[sflag:s26] =	ssyncset.done $0x0;
	(pc) =	sbr.rel @p0 .LBB2_10-.Ltmp4, $4  }
0x176: {  	s6 =	sadd.s32 $0x6480, s7;
	[sflag:s26] =	ssyncadd.s32 $0xFFFFD800  }
0x177: {  	[spmem:s1] =	stream.indirect.scatter.add.f32 [tilespmem:s23], [sflag:$0x3], $0x80, s6, s25, $0xb8;
	[tilespmem:$0x1C380] =	vst v63  }
0x178: {  	_ =	swait.ge [sflag:s22], $0x2800  }
0x179: {  	s21 =	sadd.s32 $0xA00, s21;
	[sflag:s22] =	ssyncset.done $0x0  }
0x17a: {  	s5 =	sadd.s32 $0xFFFFFB00, s21;
	[sflag:s22] =	ssyncadd.s32 $0xFFFFD800  }
0x17b: {  	[tilespmem:s23], [sflag:$0x2] =	stream.linear.gather [hbm4b:s5+s2], $0x2800, $0x38;
	[tilespmem:$0x1C380] =	vst v63  }
0x17c: {  	_ =	swait.ge [sflag:s24], $0x2800  }
0x17d: {  	s3 =	sshra.s32 s3, $0x2;
	[sflag:s24] =	ssyncset.done $0x0  }
0x17e: {  	s31 =	sadd.s32 $0x6400, s3;
	[sflag:s24] =	ssyncadd.s32 $0xFFFFD800  }
0x17f: {  	[spmem:s1] =	stream.indirect.scatter.add.f32 [tilespmem:s2], [sflag:$0x3], $0x80, s31, s25, $0xb8;
	[tilespmem:$0x1C380] =	vst v63  }
0x180: {  	_ =	swait.ge [sflag:s22], $0x2800  }
0x181: {  	[sflag:s22] =	ssyncset.done $0x0  }
0x182: {  	[sflag:s22] =	ssyncadd.s32 $0xFFFFD800  }
0x183: {  	[tilespmem:s2], [sflag:$0x1] =	stream.linear.gather [hbm4b:s21+s2], $0x2800, $0x38;
	[tilespmem:$0x1C380] =	vst v63  }
0x184: {  	_ =	swait.ge [sflag:s26], $0x2800  }
0x185: {  	[sflag:s26] =	ssyncset.done $0x0  }
0x186: {  	s3 =	sadd.s32 $0x6480, s3;
	[sflag:s26] =	ssyncadd.s32 $0xFFFFD800  }
0x187: {  	[spmem:s1] =	stream.indirect.scatter.add.f32 [tilespmem:s23], [sflag:$0x3], $0x80, s3, s25, $0xb8;
	[tilespmem:$0x1C380] =	vst v63  }
0x188: {  	_ =	swait.ge [sflag:s22], $0x2800  }
0x189: {  	[sflag:s22] =	ssyncset.done $0x0  }
0x18a: {  	[sflag:s22] =	ssyncadd.s32 $0xFFFFD800  }
0x18b: {  	_ =	swait.ge [sflag:s24], $0x2800  }
0x18c: {  	[sflag:s24] =	ssyncset.done $0x0  }
0x18d: {  	[sflag:s24] =	ssyncadd.s32 $0xFFFFD800  }
0x18e: {  	[spmem:s1] =	stream.indirect.scatter.add.f32 [tilespmem:s2], [sflag:$0x3], $0x80, s28, s25, $0xb8;
	[tilespmem:$0x1C380] =	vst v63  }
0x18f: {  	_ =	swait.ge [sflag:s22], $0x2800  }
0x190: {  	[sflag:s22] =	ssyncset.done $0x0  }
0x191: {  	s29 =	sadd.s32 $0x1, s29;
	[sflag:s22] =	ssyncadd.s32 $0xFFFFD800  }
0x192: {  	p0 =	sne.s32 s29, s16;
	[bflag:$0x0] =	sbarrier.arrive $0xFFFF  }
0x193: {  	[hbm:s15], [sflag:s30] =	dma.local [spmem:s0], $0x2780  }
.Ltmp5:
0x194: {  	_ =	swait.ge [sflag:s22], $0x2780;
	(pc) =	sbr.rel @p0 .LBB2_1-.Ltmp5, $3  }
0x195: {  	[sflag:s22] =	ssyncset.done $0x0  }
0x196: {  	[sflag:s22] =	ssyncadd.s32 $0xFFFFD880  }
0x197: {  	[bflag:$0x0] =	sbarrier.arrive $0xFFFF;
	_ =	sdelay $0x1  }
0x198: {  	_ =	sfence.sel $0x180000  }
0x199: {  	[bflag:$0x0] =	sbarrier.arrive $0xFFFF  }
0x19a: {  	_ =	strace $0x9000004A  }
0x19b: {  	s0 =	stileid.u32;
	[bflag:$0x2] =	sbarrier.arrive $0xFFFF  }
0x19c: {  	p0 =	sne.s32 s0, $0x0;
	s0 =	rddreg [dreg:$0x3]  }
0x19d: {  	s0 =	sadd.s32 @!p0 $0x100000, s0  }
0x19e: {  	[sflag:s0] =	ssyncadd.tile.s32 @!p0 $0x1;
	_ =	shalt  }
.Lfunc_end2:
_tile_overlayer_lowered:
.L_overlay_start_2:
0x19f: {  	(tag) =	ssettag $0x2  }
0x1a0: {  	s0 =	rddreg [dreg:$0x0];
	s2 =	stileid.u32  }
0x1a1: {  	s1 =	rddreg [dreg:$0x1];
	p0 =	sne.s32 s2, $0x0  }
0x1a2: {  	s3 =	rddreg [dreg:$0x2];
	[bflag:$0x3] =	sbarrier.arrive $0xFFFF;
	s2 =	simm.s32 @!p0 $0x1C03  }
0x1a3: {  	[timem:s3], [sflag:s2] =	dma.local @!p0 [hbm:s0], s1  }
0x1a4: {  	s0 =	simm.s32 @!p0 $0x3  }
0x1a5: {  	_ =	swait.ge @!p0 [sflag:s0], s1  }
0x1a6: {  	s1 =	ssub.s32 @!p0 $0x0, s1;
	[sflag:s0] =	ssyncset.done @!p0 $0x0  }
0x1a7: {  	[sflag:s0] =	ssyncadd.s32 @!p0 s1  }
0x1a8: {  	[bflag:$0x3] =	sbarrier.arrive $0xFFFF  }
0x1a9: {  	_ =	shalt  }

</sc_bundles>
